<compile_context>
chip_gen: v7x
topology: tpu7x:2x2x1
jax: 0.10.2.dev20260603
libtpu: 0.0.44.dev20260713+nightly
codegen_flags: <defaults>
</compile_context>

<pallas_src>
import dataclasses
import functools

import jax
import jax.numpy as jnp
from jax import lax
from jax.experimental import pallas as pl
from jax.experimental.pallas import tpu as pltpu
from jax.experimental.pallas import tpu_sc as plsc

N = 10000
E = 320000
HID = 128
NH = 8
HD = 16
NC = 2
NS = 16
NW = NC * NS
EPW = E // NW
BLK = 80
NBLK = EPW // BLK
NP = 10240
RPS = NP // NS
BN = 1024


def _qkv(h, wq, bq, wk, bk, wv, bv):
    dn = (((1,), (1,)), ((), ()))
    scale = HD ** -0.5

    def body(h_ref, wq_ref, bq_ref, wk_ref, bk_ref, wv_ref, bv_ref,
             q_ref, k_ref, v_ref):
        hb = h_ref[...]
        q_ref[...] = (lax.dot_general(hb, wq_ref[...], dn,
                                      preferred_element_type=jnp.float32)
                      + bq_ref[...]) * scale
        k_ref[...] = lax.dot_general(hb, wk_ref[...], dn,
                                     preferred_element_type=jnp.float32) + bk_ref[...]
        v_ref[...] = lax.dot_general(hb, wv_ref[...], dn,
                                     preferred_element_type=jnp.float32) + bv_ref[...]

    wspec = pl.BlockSpec((HID, HID), lambda i: (0, 0))
    bspec = pl.BlockSpec((1, HID), lambda i: (0, 0))
    out = jax.ShapeDtypeStruct((N, HID), jnp.float32)
    return pl.pallas_call(
        body,
        grid=(N // 1000,),
        in_specs=[pl.BlockSpec((1000, HID), lambda i: (i, 0)),
                  wspec, bspec, wspec, bspec, wspec, bspec],
        out_specs=[pl.BlockSpec((1000, HID), lambda i: (i, 0))] * 3,
        out_shape=[out, out, out],
    )(h, wq, bq.reshape(1, HID), wk, bk.reshape(1, HID),
      wv, bv.reshape(1, HID))


def _edge_sc(q, k, v, row, col, zeros, zerosd):
    mesh = plsc.VectorSubcoreMesh(core_axis_name="c", subcore_axis_name="s")
    cp = pltpu.CompilerParams()
    if "needs_layout_passes" in pltpu.CompilerParams.__dataclass_fields__:
        cp = dataclasses.replace(cp, needs_layout_passes=False)
    if "use_tc_tiling_on_sc" in pltpu.CompilerParams.__dataclass_fields__:
        cp = dataclasses.replace(cp, use_tc_tiling_on_sc=False)

    @functools.partial(
        pl.kernel,
        out_type=[jax.ShapeDtypeStruct((NC, NP, HID), jnp.float32),
                  jax.ShapeDtypeStruct((NC, NP, 16), jnp.float32)],
        mesh=mesh,
        compiler_params=cp,
        scratch_types=[
            pltpu.VMEM((BLK,), jnp.int32),
            pltpu.VMEM((BLK,), jnp.int32),
            pltpu.VMEM((BLK, HID), jnp.float32),
            pltpu.VMEM((BLK, HID), jnp.float32),
            pltpu.VMEM((BLK, HID), jnp.float32),
            pltpu.VMEM((BLK, 16), jnp.float32),
            pltpu.VMEM((16,), jnp.float32),
            pltpu.VMEM_SHARED((NP, HID), jnp.float32),
            pltpu.VMEM_SHARED((NP, 16), jnp.float32),
            pltpu.SemaphoreType.DMA,
        ],
    )
    def k_(q_hbm, k_hbm, v_hbm, row_hbm, col_hbm, z_hbm, zd_hbm,
           out_hbm, outd_hbm,
           ridx, cidx, qg, kg, vg, dmsg, fold, acc, accD, sem):
        cid = lax.axis_index("c")
        sid = lax.axis_index("s")
        wid = sid * NC + cid
        r0 = pl.multiple_of(sid * RPS, 8)
        pltpu.sync_copy(z_hbm.at[cid].at[pl.ds(r0, RPS)],
                        acc.at[pl.ds(r0, RPS)])
        pltpu.sync_copy(zd_hbm.at[cid].at[pl.ds(r0, RPS)],
                        accD.at[pl.ds(r0, RPS)])

        iota = lax.broadcasted_iota(jnp.int32, (16,), 0)
        perm = iota ^ 8

        plsc.subcore_barrier()
        e0 = wid * EPW

        @pl.loop(0, NBLK)
        def _(b):
            base = pl.multiple_of(e0 + b * BLK, 8)
            ri = pltpu.async_copy(row_hbm.at[pl.ds(base, BLK)], ridx, sem)
            ci = pltpu.async_copy(col_hbm.at[pl.ds(base, BLK)], cidx, sem)
            ri.wait()
            ci.wait()
            g1 = pltpu.async_copy(q_hbm.at[ridx], qg, sem)
            g2 = pltpu.async_copy(k_hbm.at[cidx], kg, sem)
            g3 = pltpu.async_copy(v_hbm.at[cidx], vg, sem)
            g1.wait()
            g2.wait()
            g3.wait()

            @pl.loop(0, BLK)
            def _(e):
                t = qg[e, pl.ds(0, 16)] * kg[e, pl.ds(0, 16)]
                for j in range(1, 8):
                    t = t + qg[e, pl.ds(16 * j, 16)] * kg[e, pl.ds(16 * j, 16)]
                fold[...] = t
                m = jnp.exp(t + plsc.load_gather(fold, [perm]))
                for j in range(8):
                    vg[e, pl.ds(16 * j, 16)] = m * vg[e, pl.ds(16 * j, 16)]
                dmsg[e, pl.ds(0, 16)] = m

            s1 = pltpu.async_copy(vg, acc.at[ridx], sem, add=True)
            s2 = pltpu.async_copy(dmsg, accD.at[ridx], sem, add=True)
            s1.wait()
            s2.wait()

        plsc.subcore_barrier()
        pltpu.sync_copy(acc.at[pl.ds(r0, RPS)],
                        out_hbm.at[cid].at[pl.ds(r0, RPS)])
        pltpu.sync_copy(accD.at[pl.ds(r0, RPS)],
                        outd_hbm.at[cid].at[pl.ds(r0, RPS)])

    return k_(q, k, v, row, col, zeros, zerosd)


def _combine(parts, dparts):
    def body(p_ref, d_ref, o_ref):
        s = p_ref[0] + p_ref[1]
        den16 = d_ref[0] + d_ref[1]
        den = jnp.concatenate([den16] * (HID // 16), axis=1)
        o_ref[...] = s / jnp.where(den == 0.0, 1.0, den)

    return pl.pallas_call(
        body,
        grid=(NP // BN,),
        in_specs=[pl.BlockSpec((NC, BN, HID), lambda i: (0, i, 0)),
                  pl.BlockSpec((NC, BN, 16), lambda i: (0, i, 0))],
        out_specs=pl.BlockSpec((BN, HID), lambda i: (i, 0)),
        out_shape=jax.ShapeDtypeStruct((NP, HID), jnp.float32),
    )(parts, dparts)


@jax.jit
def kernel(A, h, Wq, bq, Wk, bk, Wv, bv):
    row = A[0].astype(jnp.int32)
    col = A[1].astype(jnp.int32)
    q, k, v = _qkv(h, Wq, bq, Wk, bk, Wv, bv)
    zeros = jnp.zeros((NC, NP, HID), jnp.float32)
    zerosd = jnp.zeros((NC, NP, 16), jnp.float32)
    parts, dparts = _edge_sc(q, k, v, row, col, zeros, zerosd)
    return _combine(parts, dparts)[:N]

# --- scband reference (transcript-rebuilt; emitter-appended) ---
"""Pipeline reference for scband-sparse-mha-11991548691188 (READ-ONLY COPY).

The authoritative reference and input builder live on the scoring server;
editing this copy changes nothing except your own understanding.
"""

import jax, jax.numpy as jnp
import numpy as np

N = 10000
E = 320000
HIDDEN = 128
HEADS = 8
HEAD_DIM = HIDDEN // HEADS


def setup_inputs(seed: int = 0) -> dict:
    key = jax.random.key(seed)
    ks = jax.random.split(key, 9)
    A = jax.random.randint(ks[0], (2, E), 0, N, dtype=jnp.int64)
    h = jax.random.normal(ks[1], (N, HIDDEN), dtype=jnp.float32)
    s = 1.0 / np.sqrt(HIDDEN)
    Wq = jax.random.uniform(ks[2], (HIDDEN, HIDDEN), jnp.float32, -s, s)
    bq = jax.random.uniform(ks[3], (HIDDEN,), jnp.float32, -s, s)
    Wk = jax.random.uniform(ks[4], (HIDDEN, HIDDEN), jnp.float32, -s, s)
    bk = jax.random.uniform(ks[5], (HIDDEN,), jnp.float32, -s, s)
    Wv = jax.random.uniform(ks[6], (HIDDEN, HIDDEN), jnp.float32, -s, s)
    bv = jax.random.uniform(ks[7], (HIDDEN,), jnp.float32, -s, s)
    return {"A": A, "h": h, "Wq": Wq, "bq": bq, "Wk": Wk, "bk": bk, "Wv": Wv, "bv": bv}


def reference(A, h, Wq, bq, Wk, bk, Wv, bv):
    n = h.shape[0]
    scaling = HEAD_DIM ** (-0.5)
    q = (h @ Wq.T + bq).reshape(n, HEAD_DIM, HEADS) * scaling
    k = (h @ Wk.T + bk).reshape(n, HEAD_DIM, HEADS)
    v = (h @ Wv.T + bv).reshape(n, HEAD_DIM, HEADS)
    row = A[0]
    col = A[1]
    # bsddmm: per-edge, per-head dot product q[row] . k[col]
    scores = jnp.einsum('edh,edh->eh', jnp.take(q, row, axis=0), jnp.take(k, col, axis=0))  # [E, H]
    # sparse softmax over each row of A
    seg_max = jax.ops.segment_max(scores, row, num_segments=n)  # [N, H]
    seg_max = jnp.where(jnp.isfinite(seg_max), seg_max, 0.0)
    ex = jnp.exp(scores - jnp.take(seg_max, row, axis=0))
    denom = jax.ops.segment_sum(ex, row, num_segments=n)  # [N, H]
    denom = jnp.where(denom == 0.0, 1.0, denom)
    attn = ex / jnp.take(denom, row, axis=0)  # [E, H]
    # bspmm: out[i] = sum_j attn[i,j,h] * v[j,:,h]
    msgs = attn[:, None, :] * jnp.take(v, col, axis=0)  # [E, HEAD_DIM, H]
    out = jax.ops.segment_sum(msgs, row, num_segments=n)  # [N, HEAD_DIM, H]
    return out.reshape(n, -1)

if __name__ == "__main__":
    import jax
    _d = setup_inputs()
    print(jax.jit(kernel)(*tuple(_d.values())))

</pallas_src>

<mosaic_0001>
#map = affine_map<(d0, d1) -> (0, 0)>
#map1 = affine_map<(d0, d1) -> (0)>
#map2 = affine_map<(d0, d1) -> (0, 0, 0)>
module attributes {stable_mosaic.version = 14 : i64} {
  func.func @k_(%arg0: i32, %arg1: i32, %arg2: memref<10000x128xf32, #tpu.memory_space<hbm>>, %arg3: memref<10000x128xf32, #tpu.memory_space<hbm>>, %arg4: memref<10000x128xf32, #tpu.memory_space<hbm>>, %arg5: memref<320000xi32, #tpu.memory_space<hbm>>, %arg6: memref<320000xi32, #tpu.memory_space<hbm>>, %arg7: memref<2x10240x128xf32, #tpu.memory_space<hbm>>, %arg8: memref<2x10240x16xf32, #tpu.memory_space<hbm>>, %arg9: memref<2x10240x128xf32, #tpu.memory_space<hbm>>, %arg10: memref<2x10240x16xf32, #tpu.memory_space<hbm>>, %arg11: memref<80xi32, #tpu.memory_space<vmem>>, %arg12: memref<80xi32, #tpu.memory_space<vmem>>, %arg13: memref<80x128xf32, #tpu.memory_space<vmem>>, %arg14: memref<80x128xf32, #tpu.memory_space<vmem>>, %arg15: memref<80x128xf32, #tpu.memory_space<vmem>>, %arg16: memref<80x16xf32, #tpu.memory_space<vmem>>, %arg17: memref<16xf32, #tpu.memory_space<vmem>>, %arg18: memref<10240x128xf32, #tpu.memory_space<vmem_shared>>, %arg19: memref<10240x16xf32, #tpu.memory_space<vmem_shared>>, %arg20: memref<!tpu.dma_semaphore, #tpu.memory_space<semaphore_mem>>) attributes {dimension_semantics = [#tpu.dimension_semantics<core_parallel>, #tpu.dimension_semantics<subcore_parallel>], iteration_bounds = array<i64: 2, 16>, scalar_prefetch = 0 : i64, scratch_operands = 10 : i64, tpu.core_type = #tpu.core_type<sc_vector_subcore>, window_params = [{transform_indices = #map}, {transform_indices = #map}, {transform_indices = #map}, {transform_indices = #map1}, {transform_indices = #map1}, {transform_indices = #map2}, {transform_indices = #map2}, {transform_indices = #map2}, {transform_indices = #map2}]} {
    %mul3A = arith.constant 2 : i32
    %mul3A_0 = arith.muli %arg1, %mul3A : i32
    %add3A = arith.addi %mul3A_0, %arg0 : i32
    %mul3A_1 = arith.constant 640 : i32
    %mul3A_2 = arith.muli %arg1, %mul3A_1 : i32
    %multiple_of3A = tpu.assume_multiple %mul3A_2, 8 : i32
    "tpu.region"() ({
      %run_scoped3A = tpu.sem_alloc : memref<!tpu.dma_semaphore, #tpu.memory_space<semaphore_mem>>
      %dma_start3A = arith.constant 0 : i32
      %dma_start3A_12 = tpu.memref_slice %arg18[%multiple_of3A, %dma_start3A] : memref<10240x128xf32, #tpu.memory_space<vmem_shared>> -> memref<640x128xf32, #tpu.memory_space<vmem_shared>>
      %dma_start3A_13 = arith.constant 0 : i32
      %dma_start3A_14 = arith.constant 0 : i32
      %dma_start3A_15 = tpu.memref_slice %arg7[%arg0, %dma_start3A_13, %dma_start3A_14] : memref<2x10240x128xf32, #tpu.memory_space<hbm>> -> memref<1x10240x128xf32, #tpu.memory_space<hbm>>
      %dma_start3A_16 = tpu.memref_squeeze %dma_start3A_15 : memref<1x10240x128xf32, #tpu.memory_space<hbm>> -> memref<10240x128xf32, #tpu.memory_space<hbm>>
      %dma_start3A_17 = arith.constant 0 : i32
      %dma_start3A_18 = tpu.memref_slice %dma_start3A_16[%multiple_of3A, %dma_start3A_17] : memref<10240x128xf32, #tpu.memory_space<hbm>> -> memref<640x128xf32, #tpu.memory_space<hbm>>
      tpu.enqueue_dma source(%dma_start3A_18 : memref<640x128xf32, #tpu.memory_space<hbm>>) target(%dma_start3A_12 : memref<640x128xf32, #tpu.memory_space<vmem_shared>>) target_semaphore(%run_scoped3A : memref<!tpu.dma_semaphore, #tpu.memory_space<semaphore_mem>>)
      %dma_wait3A = arith.constant 0 : i32
      %dma_wait3A_19 = tpu.memref_slice %arg18[%multiple_of3A, %dma_wait3A] : memref<10240x128xf32, #tpu.memory_space<vmem_shared>> -> memref<640x128xf32, #tpu.memory_space<vmem_shared>>
      %dma_wait3A_20 = arith.constant 0 : i32
      %dma_wait3A_21 = arith.constant 0 : i32
      %dma_wait3A_22 = tpu.memref_slice %arg7[%arg0, %dma_wait3A_20, %dma_wait3A_21] : memref<2x10240x128xf32, #tpu.memory_space<hbm>> -> memref<1x10240x128xf32, #tpu.memory_space<hbm>>
      %dma_wait3A_23 = tpu.memref_squeeze %dma_wait3A_22 : memref<1x10240x128xf32, #tpu.memory_space<hbm>> -> memref<10240x128xf32, #tpu.memory_space<hbm>>
      %dma_wait3A_24 = arith.constant 0 : i32
      %dma_wait3A_25 = tpu.memref_slice %dma_wait3A_23[%multiple_of3A, %dma_wait3A_24] : memref<10240x128xf32, #tpu.memory_space<hbm>> -> memref<640x128xf32, #tpu.memory_space<hbm>>
      tpu.wait_dma2 semaphore(%run_scoped3A : memref<!tpu.dma_semaphore, #tpu.memory_space<semaphore_mem>>) src(%dma_wait3A_25 : memref<640x128xf32, #tpu.memory_space<hbm>>) dst(%dma_wait3A_19 : memref<640x128xf32, #tpu.memory_space<vmem_shared>>)
      tpu.yield
    }) : () -> ()
    "tpu.region"() ({
      %run_scoped3A = tpu.sem_alloc : memref<!tpu.dma_semaphore, #tpu.memory_space<semaphore_mem>>
      %dma_start3A = arith.constant 0 : i32
      %dma_start3A_12 = tpu.memref_slice %arg19[%multiple_of3A, %dma_start3A] : memref<10240x16xf32, #tpu.memory_space<vmem_shared>> -> memref<640x16xf32, #tpu.memory_space<vmem_shared>>
      %dma_start3A_13 = arith.constant 0 : i32
      %dma_start3A_14 = arith.constant 0 : i32
      %dma_start3A_15 = tpu.memref_slice %arg8[%arg0, %dma_start3A_13, %dma_start3A_14] : memref<2x10240x16xf32, #tpu.memory_space<hbm>> -> memref<1x10240x16xf32, #tpu.memory_space<hbm>>
      %dma_start3A_16 = tpu.memref_squeeze %dma_start3A_15 : memref<1x10240x16xf32, #tpu.memory_space<hbm>> -> memref<10240x16xf32, #tpu.memory_space<hbm>>
      %dma_start3A_17 = arith.constant 0 : i32
      %dma_start3A_18 = tpu.memref_slice %dma_start3A_16[%multiple_of3A, %dma_start3A_17] : memref<10240x16xf32, #tpu.memory_space<hbm>> -> memref<640x16xf32, #tpu.memory_space<hbm>>
      tpu.enqueue_dma source(%dma_start3A_18 : memref<640x16xf32, #tpu.memory_space<hbm>>) target(%dma_start3A_12 : memref<640x16xf32, #tpu.memory_space<vmem_shared>>) target_semaphore(%run_scoped3A : memref<!tpu.dma_semaphore, #tpu.memory_space<semaphore_mem>>)
      %dma_wait3A = arith.constant 0 : i32
      %dma_wait3A_19 = tpu.memref_slice %arg19[%multiple_of3A, %dma_wait3A] : memref<10240x16xf32, #tpu.memory_space<vmem_shared>> -> memref<640x16xf32, #tpu.memory_space<vmem_shared>>
      %dma_wait3A_20 = arith.constant 0 : i32
      %dma_wait3A_21 = arith.constant 0 : i32
      %dma_wait3A_22 = tpu.memref_slice %arg8[%arg0, %dma_wait3A_20, %dma_wait3A_21] : memref<2x10240x16xf32, #tpu.memory_space<hbm>> -> memref<1x10240x16xf32, #tpu.memory_space<hbm>>
      %dma_wait3A_23 = tpu.memref_squeeze %dma_wait3A_22 : memref<1x10240x16xf32, #tpu.memory_space<hbm>> -> memref<10240x16xf32, #tpu.memory_space<hbm>>
      %dma_wait3A_24 = arith.constant 0 : i32
      %dma_wait3A_25 = tpu.memref_slice %dma_wait3A_23[%multiple_of3A, %dma_wait3A_24] : memref<10240x16xf32, #tpu.memory_space<hbm>> -> memref<640x16xf32, #tpu.memory_space<hbm>>
      tpu.wait_dma2 semaphore(%run_scoped3A : memref<!tpu.dma_semaphore, #tpu.memory_space<semaphore_mem>>) src(%dma_wait3A_25 : memref<640x16xf32, #tpu.memory_space<hbm>>) dst(%dma_wait3A_19 : memref<640x16xf32, #tpu.memory_space<vmem_shared>>)
      tpu.yield
    }) : () -> ()
    %iota3A = tpu.iota {dimensions = array<i32: 0>} : vector<16xi32>
    %xor3A = arith.constant 8 : i32
    %xor3A_3 = vector.broadcast %xor3A : i32 to vector<16xi32>
    %xor3A_4 = arith.xori %iota3A, %xor3A_3 : vector<16xi32>
    %barrier3A = arith.constant 0 : index
    tpu.barrier barrier_id(%barrier3A)
    %mul3A_5 = arith.constant 10000 : i32
    %mul3A_6 = arith.muli %add3A, %mul3A_5 : i32
    %scan3A = arith.constant 0 : i32
    %scan3A_7 = arith.constant 125 : i32
    %scan3A_8 = arith.addi %scan3A, %scan3A_7 : i32
    %scan3A_9 = arith.constant 1 : i32
    scf.for %scan3A_12 = %scan3A to %scan3A_8 step %scan3A_9  : i32 {
      %mul3A_13 = arith.constant 1 : i32
      %mul3A_14 = arith.muli %scan3A_12, %mul3A_13 : i32
      %add3A_15 = arith.constant 0 : i32
      %add3A_16 = arith.addi %add3A_15, %mul3A_14 : i32
      %mul3A_17 = arith.constant 80 : i32
      %mul3A_18 = arith.muli %add3A_16, %mul3A_17 : i32
      %add3A_19 = arith.addi %mul3A_6, %mul3A_18 : i32
      %multiple_of3A_20 = tpu.assume_multiple %add3A_19, 8 : i32
      %dma_start3A = tpu.memref_slice %arg5[%multiple_of3A_20] : memref<320000xi32, #tpu.memory_space<hbm>> -> memref<80xi32, #tpu.memory_space<hbm>>
      %dma_start3A_21 = tpu.memref_slice %arg5[%multiple_of3A_20] : memref<320000xi32, #tpu.memory_space<hbm>> -> memref<80xi32, #tpu.memory_space<hbm>>
      tpu.enqueue_dma source(%dma_start3A_21 : memref<80xi32, #tpu.memory_space<hbm>>) target(%arg11 : memref<80xi32, #tpu.memory_space<vmem>>) target_semaphore(%arg20 : memref<!tpu.dma_semaphore, #tpu.memory_space<semaphore_mem>>)
      %dma_start3A_22 = tpu.memref_slice %arg6[%multiple_of3A_20] : memref<320000xi32, #tpu.memory_space<hbm>> -> memref<80xi32, #tpu.memory_space<hbm>>
      %dma_start3A_23 = tpu.memref_slice %arg6[%multiple_of3A_20] : memref<320000xi32, #tpu.memory_space<hbm>> -> memref<80xi32, #tpu.memory_space<hbm>>
      tpu.enqueue_dma source(%dma_start3A_23 : memref<80xi32, #tpu.memory_space<hbm>>) target(%arg12 : memref<80xi32, #tpu.memory_space<vmem>>) target_semaphore(%arg20 : memref<!tpu.dma_semaphore, #tpu.memory_space<semaphore_mem>>)
      %dma_wait3A = tpu.memref_slice %arg5[%multiple_of3A_20] : memref<320000xi32, #tpu.memory_space<hbm>> -> memref<80xi32, #tpu.memory_space<hbm>>
      %dma_wait3A_24 = tpu.memref_slice %arg5[%multiple_of3A_20] : memref<320000xi32, #tpu.memory_space<hbm>> -> memref<80xi32, #tpu.memory_space<hbm>>
      tpu.wait_dma2 semaphore(%arg20 : memref<!tpu.dma_semaphore, #tpu.memory_space<semaphore_mem>>) src(%dma_wait3A_24 : memref<80xi32, #tpu.memory_space<hbm>>) dst(%arg11 : memref<80xi32, #tpu.memory_space<vmem>>)
      %dma_wait3A_25 = tpu.memref_slice %arg6[%multiple_of3A_20] : memref<320000xi32, #tpu.memory_space<hbm>> -> memref<80xi32, #tpu.memory_space<hbm>>
      %dma_wait3A_26 = tpu.memref_slice %arg6[%multiple_of3A_20] : memref<320000xi32, #tpu.memory_space<hbm>> -> memref<80xi32, #tpu.memory_space<hbm>>
      tpu.wait_dma2 semaphore(%arg20 : memref<!tpu.dma_semaphore, #tpu.memory_space<semaphore_mem>>) src(%dma_wait3A_26 : memref<80xi32, #tpu.memory_space<hbm>>) dst(%arg12 : memref<80xi32, #tpu.memory_space<vmem>>)
      %dma_start3A_27 = arith.constant 0 : i32
      %dma_start3A_28 = arith.constant 0 : i32
      %dma_start3A_29 = tpu.memref_slice %arg2[%dma_start3A_27, %dma_start3A_28] : memref<10000x128xf32, #tpu.memory_space<hbm>> -> memref<10000x128xf32, #tpu.memory_space<hbm>>
      tpu.enqueue_indirect_dma source(%dma_start3A_29 : memref<10000x128xf32, #tpu.memory_space<hbm>>) target(%arg13 : memref<80x128xf32, #tpu.memory_space<vmem>>) offsets(%arg11 : memref<80xi32, #tpu.memory_space<vmem>>) semaphore(%arg20 : memref<!tpu.dma_semaphore, #tpu.memory_space<semaphore_mem>>)
      %dma_start3A_30 = arith.constant 0 : i32
      %dma_start3A_31 = arith.constant 0 : i32
      %dma_start3A_32 = tpu.memref_slice %arg3[%dma_start3A_30, %dma_start3A_31] : memref<10000x128xf32, #tpu.memory_space<hbm>> -> memref<10000x128xf32, #tpu.memory_space<hbm>>
      tpu.enqueue_indirect_dma source(%dma_start3A_32 : memref<10000x128xf32, #tpu.memory_space<hbm>>) target(%arg14 : memref<80x128xf32, #tpu.memory_space<vmem>>) offsets(%arg12 : memref<80xi32, #tpu.memory_space<vmem>>) semaphore(%arg20 : memref<!tpu.dma_semaphore, #tpu.memory_space<semaphore_mem>>)
      %dma_start3A_33 = arith.constant 0 : i32
      %dma_start3A_34 = arith.constant 0 : i32
      %dma_start3A_35 = tpu.memref_slice %arg4[%dma_start3A_33, %dma_start3A_34] : memref<10000x128xf32, #tpu.memory_space<hbm>> -> memref<10000x128xf32, #tpu.memory_space<hbm>>
      tpu.enqueue_indirect_dma source(%dma_start3A_35 : memref<10000x128xf32, #tpu.memory_space<hbm>>) target(%arg15 : memref<80x128xf32, #tpu.memory_space<vmem>>) offsets(%arg12 : memref<80xi32, #tpu.memory_space<vmem>>) semaphore(%arg20 : memref<!tpu.dma_semaphore, #tpu.memory_space<semaphore_mem>>)
      %dma_wait3A_36 = arith.constant 0 : i32
      %dma_wait3A_37 = arith.constant 0 : i32
      %dma_wait3A_38 = tpu.memref_slice %arg2[%dma_wait3A_36, %dma_wait3A_37] : memref<10000x128xf32, #tpu.memory_space<hbm>> -> memref<10000x128xf32, #tpu.memory_space<hbm>>
      tpu.wait_indirect_dma semaphore(%arg20 : memref<!tpu.dma_semaphore, #tpu.memory_space<semaphore_mem>>) src(%dma_wait3A_38 : memref<10000x128xf32, #tpu.memory_space<hbm>>) dst(%arg13 : memref<80x128xf32, #tpu.memory_space<vmem>>)
      %dma_wait3A_39 = arith.constant 0 : i32
      %dma_wait3A_40 = arith.constant 0 : i32
      %dma_wait3A_41 = tpu.memref_slice %arg3[%dma_wait3A_39, %dma_wait3A_40] : memref<10000x128xf32, #tpu.memory_space<hbm>> -> memref<10000x128xf32, #tpu.memory_space<hbm>>
      tpu.wait_indirect_dma semaphore(%arg20 : memref<!tpu.dma_semaphore, #tpu.memory_space<semaphore_mem>>) src(%dma_wait3A_41 : memref<10000x128xf32, #tpu.memory_space<hbm>>) dst(%arg14 : memref<80x128xf32, #tpu.memory_space<vmem>>)
      %dma_wait3A_42 = arith.constant 0 : i32
      %dma_wait3A_43 = arith.constant 0 : i32
      %dma_wait3A_44 = tpu.memref_slice %arg4[%dma_wait3A_42, %dma_wait3A_43] : memref<10000x128xf32, #tpu.memory_space<hbm>> -> memref<10000x128xf32, #tpu.memory_space<hbm>>
      tpu.wait_indirect_dma semaphore(%arg20 : memref<!tpu.dma_semaphore, #tpu.memory_space<semaphore_mem>>) src(%dma_wait3A_44 : memref<10000x128xf32, #tpu.memory_space<hbm>>) dst(%arg15 : memref<80x128xf32, #tpu.memory_space<vmem>>)
      %scan3A_45 = arith.constant 0 : i32
      %scan3A_46 = arith.constant 80 : i32
      %scan3A_47 = arith.addi %scan3A_45, %scan3A_46 : i32
      %scan3A_48 = arith.constant 1 : i32
      scf.for %scan3A_62 = %scan3A_45 to %scan3A_47 step %scan3A_48  : i32 {
        %mul3A_63 = arith.constant 1 : i32
        %mul3A_64 = arith.muli %scan3A_62, %mul3A_63 : i32
        %add3A_65 = arith.constant 0 : i32
        %add3A_66 = arith.addi %add3A_65, %mul3A_64 : i32
        %get3A = arith.index_cast %add3A_66 : i32 to index
        %get3A_67 = arith.constant 0 : index
        %get3A_68 = tpu.vector_load %arg13[%get3A, %get3A_67] {strides = array<i32>} : memref<80x128xf32, #tpu.memory_space<vmem>>, vector<16xf32>,
        %get3A_69 = arith.index_cast %add3A_66 : i32 to index
        %get3A_70 = arith.constant 0 : index
        %get3A_71 = tpu.vector_load %arg14[%get3A_69, %get3A_70] {strides = array<i32>} : memref<80x128xf32, #tpu.memory_space<vmem>>, vector<16xf32>,
        %mul3A_72 = arith.mulf %get3A_68, %get3A_71 : vector<16xf32>
        %get3A_73 = arith.index_cast %add3A_66 : i32 to index
        %get3A_74 = arith.constant 16 : index
        %get3A_75 = tpu.vector_load %arg13[%get3A_73, %get3A_74] {strides = array<i32>} : memref<80x128xf32, #tpu.memory_space<vmem>>, vector<16xf32>,
        %get3A_76 = arith.index_cast %add3A_66 : i32 to index
        %get3A_77 = arith.constant 16 : index
        %get3A_78 = tpu.vector_load %arg14[%get3A_76, %get3A_77] {strides = array<i32>} : memref<80x128xf32, #tpu.memory_space<vmem>>, vector<16xf32>,
        %mul3A_79 = arith.mulf %get3A_75, %get3A_78 : vector<16xf32>
        %add3A_80 = arith.addf %mul3A_72, %mul3A_79 : vector<16xf32>
        %get3A_81 = arith.index_cast %add3A_66 : i32 to index
        %get3A_82 = arith.constant 32 : index
        %get3A_83 = tpu.vector_load %arg13[%get3A_81, %get3A_82] {strides = array<i32>} : memref<80x128xf32, #tpu.memory_space<vmem>>, vector<16xf32>,
        %get3A_84 = arith.index_cast %add3A_66 : i32 to index
        %get3A_85 = arith.constant 32 : index
        %get3A_86 = tpu.vector_load %arg14[%get3A_84, %get3A_85] {strides = array<i32>} : memref<80x128xf32, #tpu.memory_space<vmem>>, vector<16xf32>,
        %mul3A_87 = arith.mulf %get3A_83, %get3A_86 : vector<16xf32>
        %add3A_88 = arith.addf %add3A_80, %mul3A_87 : vector<16xf32>
        %get3A_89 = arith.index_cast %add3A_66 : i32 to index
        %get3A_90 = arith.constant 48 : index
        %get3A_91 = tpu.vector_load %arg13[%get3A_89, %get3A_90] {strides = array<i32>} : memref<80x128xf32, #tpu.memory_space<vmem>>, vector<16xf32>,
        %get3A_92 = arith.index_cast %add3A_66 : i32 to index
        %get3A_93 = arith.constant 48 : index
        %get3A_94 = tpu.vector_load %arg14[%get3A_92, %get3A_93] {strides = array<i32>} : memref<80x128xf32, #tpu.memory_space<vmem>>, vector<16xf32>,
        %mul3A_95 = arith.mulf %get3A_91, %get3A_94 : vector<16xf32>
        %add3A_96 = arith.addf %add3A_88, %mul3A_95 : vector<16xf32>
        %get3A_97 = arith.index_cast %add3A_66 : i32 to index
        %get3A_98 = arith.constant 64 : index
        %get3A_99 = tpu.vector_load %arg13[%get3A_97, %get3A_98] {strides = array<i32>} : memref<80x128xf32, #tpu.memory_space<vmem>>, vector<16xf32>,
        %get3A_100 = arith.index_cast %add3A_66 : i32 to index
        %get3A_101 = arith.constant 64 : index
        %get3A_102 = tpu.vector_load %arg14[%get3A_100, %get3A_101] {strides = array<i32>} : memref<80x128xf32, #tpu.memory_space<vmem>>, vector<16xf32>,
        %mul3A_103 = arith.mulf %get3A_99, %get3A_102 : vector<16xf32>
        %add3A_104 = arith.addf %add3A_96, %mul3A_103 : vector<16xf32>
        %get3A_105 = arith.index_cast %add3A_66 : i32 to index
        %get3A_106 = arith.constant 80 : index
        %get3A_107 = tpu.vector_load %arg13[%get3A_105, %get3A_106] {strides = array<i32>} : memref<80x128xf32, #tpu.memory_space<vmem>>, vector<16xf32>,
        %get3A_108 = arith.index_cast %add3A_66 : i32 to index
        %get3A_109 = arith.constant 80 : index
        %get3A_110 = tpu.vector_load %arg14[%get3A_108, %get3A_109] {strides = array<i32>} : memref<80x128xf32, #tpu.memory_space<vmem>>, vector<16xf32>,
        %mul3A_111 = arith.mulf %get3A_107, %get3A_110 : vector<16xf32>
        %add3A_112 = arith.addf %add3A_104, %mul3A_111 : vector<16xf32>
        %get3A_113 = arith.index_cast %add3A_66 : i32 to index
        %get3A_114 = arith.constant 96 : index
        %get3A_115 = tpu.vector_load %arg13[%get3A_113, %get3A_114] {strides = array<i32>} : memref<80x128xf32, #tpu.memory_space<vmem>>, vector<16xf32>,
        %get3A_116 = arith.index_cast %add3A_66 : i32 to index
        %get3A_117 = arith.constant 96 : index
        %get3A_118 = tpu.vector_load %arg14[%get3A_116, %get3A_117] {strides = array<i32>} : memref<80x128xf32, #tpu.memory_space<vmem>>, vector<16xf32>,
        %mul3A_119 = arith.mulf %get3A_115, %get3A_118 : vector<16xf32>
        %add3A_120 = arith.addf %add3A_112, %mul3A_119 : vector<16xf32>
        %get3A_121 = arith.index_cast %add3A_66 : i32 to index
        %get3A_122 = arith.constant 112 : index
        %get3A_123 = tpu.vector_load %arg13[%get3A_121, %get3A_122] {strides = array<i32>} : memref<80x128xf32, #tpu.memory_space<vmem>>, vector<16xf32>,
        %get3A_124 = arith.index_cast %add3A_66 : i32 to index
        %get3A_125 = arith.constant 112 : index
        %get3A_126 = tpu.vector_load %arg14[%get3A_124, %get3A_125] {strides = array<i32>} : memref<80x128xf32, #tpu.memory_space<vmem>>, vector<16xf32>,
        %mul3A_127 = arith.mulf %get3A_123, %get3A_126 : vector<16xf32>
        %add3A_128 = arith.addf %add3A_120, %mul3A_127 : vector<16xf32>
        %swap3A = arith.constant 0 : index
        %swap3A_129 = tpu.vector_load %arg17[%swap3A] {strides = array<i32>} : memref<16xf32, #tpu.memory_space<vmem>>, vector<16xf32>,
        tpu.vector_store %arg17[%swap3A], %add3A_128 {strides = array<i32>} : memref<16xf32, #tpu.memory_space<vmem>>, vector<16xf32>,
        %gather3A = tpu.vector_load_idx %arg17[%xor3A_4] : memref<16xf32, #tpu.memory_space<vmem>>[vector<16xi32>], vector<16xf32>,
        %add3A_130 = arith.addf %add3A_128, %gather3A : vector<16xf32>
        %exp3A = math.exp %add3A_130 : vector<16xf32>
        %get3A_131 = arith.index_cast %add3A_66 : i32 to index
        %get3A_132 = arith.constant 0 : index
        %get3A_133 = tpu.vector_load %arg15[%get3A_131, %get3A_132] {strides = array<i32>} : memref<80x128xf32, #tpu.memory_space<vmem>>, vector<16xf32>,
        %mul3A_134 = arith.mulf %exp3A, %get3A_133 : vector<16xf32>
        %swap3A_135 = arith.index_cast %add3A_66 : i32 to index
        %swap3A_136 = arith.constant 0 : index
        %swap3A_137 = tpu.vector_load %arg15[%swap3A_135, %swap3A_136] {strides = array<i32>} : memref<80x128xf32, #tpu.memory_space<vmem>>, vector<16xf32>,
        tpu.vector_store %arg15[%swap3A_135, %swap3A_136], %mul3A_134 {strides = array<i32>} : memref<80x128xf32, #tpu.memory_space<vmem>>, vector<16xf32>,
        %get3A_138 = arith.index_cast %add3A_66 : i32 to index
        %get3A_139 = arith.constant 16 : index
        %get3A_140 = tpu.vector_load %arg15[%get3A_138, %get3A_139] {strides = array<i32>} : memref<80x128xf32, #tpu.memory_space<vmem>>, vector<16xf32>,
        %mul3A_141 = arith.mulf %exp3A, %get3A_140 : vector<16xf32>
        %swap3A_142 = arith.index_cast %add3A_66 : i32 to index
        %swap3A_143 = arith.constant 16 : index
        %swap3A_144 = tpu.vector_load %arg15[%swap3A_142, %swap3A_143] {strides = array<i32>} : memref<80x128xf32, #tpu.memory_space<vmem>>, vector<16xf32>,
        tpu.vector_store %arg15[%swap3A_142, %swap3A_143], %mul3A_141 {strides = array<i32>} : memref<80x128xf32, #tpu.memory_space<vmem>>, vector<16xf32>,
        %get3A_145 = arith.index_cast %add3A_66 : i32 to index
        %get3A_146 = arith.constant 32 : index
        %get3A_147 = tpu.vector_load %arg15[%get3A_145, %get3A_146] {strides = array<i32>} : memref<80x128xf32, #tpu.memory_space<vmem>>, vector<16xf32>,
        %mul3A_148 = arith.mulf %exp3A, %get3A_147 : vector<16xf32>
        %swap3A_149 = arith.index_cast %add3A_66 : i32 to index
        %swap3A_150 = arith.constant 32 : index
        %swap3A_151 = tpu.vector_load %arg15[%swap3A_149, %swap3A_150] {strides = array<i32>} : memref<80x128xf32, #tpu.memory_space<vmem>>, vector<16xf32>,
        tpu.vector_store %arg15[%swap3A_149, %swap3A_150], %mul3A_148 {strides = array<i32>} : memref<80x128xf32, #tpu.memory_space<vmem>>, vector<16xf32>,
        %get3A_152 = arith.index_cast %add3A_66 : i32 to index
        %get3A_153 = arith.constant 48 : index
        %get3A_154 = tpu.vector_load %arg15[%get3A_152, %get3A_153] {strides = array<i32>} : memref<80x128xf32, #tpu.memory_space<vmem>>, vector<16xf32>,
        %mul3A_155 = arith.mulf %exp3A, %get3A_154 : vector<16xf32>
        %swap3A_156 = arith.index_cast %add3A_66 : i32 to index
        %swap3A_157 = arith.constant 48 : index
        %swap3A_158 = tpu.vector_load %arg15[%swap3A_156, %swap3A_157] {strides = array<i32>} : memref<80x128xf32, #tpu.memory_space<vmem>>, vector<16xf32>,
        tpu.vector_store %arg15[%swap3A_156, %swap3A_157], %mul3A_155 {strides = array<i32>} : memref<80x128xf32, #tpu.memory_space<vmem>>, vector<16xf32>,
        %get3A_159 = arith.index_cast %add3A_66 : i32 to index
        %get3A_160 = arith.constant 64 : index
        %get3A_161 = tpu.vector_load %arg15[%get3A_159, %get3A_160] {strides = array<i32>} : memref<80x128xf32, #tpu.memory_space<vmem>>, vector<16xf32>,
        %mul3A_162 = arith.mulf %exp3A, %get3A_161 : vector<16xf32>
        %swap3A_163 = arith.index_cast %add3A_66 : i32 to index
        %swap3A_164 = arith.constant 64 : index
        %swap3A_165 = tpu.vector_load %arg15[%swap3A_163, %swap3A_164] {strides = array<i32>} : memref<80x128xf32, #tpu.memory_space<vmem>>, vector<16xf32>,
        tpu.vector_store %arg15[%swap3A_163, %swap3A_164], %mul3A_162 {strides = array<i32>} : memref<80x128xf32, #tpu.memory_space<vmem>>, vector<16xf32>,
        %get3A_166 = arith.index_cast %add3A_66 : i32 to index
        %get3A_167 = arith.constant 80 : index
        %get3A_168 = tpu.vector_load %arg15[%get3A_166, %get3A_167] {strides = array<i32>} : memref<80x128xf32, #tpu.memory_space<vmem>>, vector<16xf32>,
        %mul3A_169 = arith.mulf %exp3A, %get3A_168 : vector<16xf32>
        %swap3A_170 = arith.index_cast %add3A_66 : i32 to index
        %swap3A_171 = arith.constant 80 : index
        %swap3A_172 = tpu.vector_load %arg15[%swap3A_170, %swap3A_171] {strides = array<i32>} : memref<80x128xf32, #tpu.memory_space<vmem>>, vector<16xf32>,
        tpu.vector_store %arg15[%swap3A_170, %swap3A_171], %mul3A_169 {strides = array<i32>} : memref<80x128xf32, #tpu.memory_space<vmem>>, vector<16xf32>,
        %get3A_173 = arith.index_cast %add3A_66 : i32 to index
        %get3A_174 = arith.constant 96 : index
        %get3A_175 = tpu.vector_load %arg15[%get3A_173, %get3A_174] {strides = array<i32>} : memref<80x128xf32, #tpu.memory_space<vmem>>, vector<16xf32>,
        %mul3A_176 = arith.mulf %exp3A, %get3A_175 : vector<16xf32>
        %swap3A_177 = arith.index_cast %add3A_66 : i32 to index
        %swap3A_178 = arith.constant 96 : index
        %swap3A_179 = tpu.vector_load %arg15[%swap3A_177, %swap3A_178] {strides = array<i32>} : memref<80x128xf32, #tpu.memory_space<vmem>>, vector<16xf32>,
        tpu.vector_store %arg15[%swap3A_177, %swap3A_178], %mul3A_176 {strides = array<i32>} : memref<80x128xf32, #tpu.memory_space<vmem>>, vector<16xf32>,
        %get3A_180 = arith.index_cast %add3A_66 : i32 to index
        %get3A_181 = arith.constant 112 : index
        %get3A_182 = tpu.vector_load %arg15[%get3A_180, %get3A_181] {strides = array<i32>} : memref<80x128xf32, #tpu.memory_space<vmem>>, vector<16xf32>,
        %mul3A_183 = arith.mulf %exp3A, %get3A_182 : vector<16xf32>
        %swap3A_184 = arith.index_cast %add3A_66 : i32 to index
        %swap3A_185 = arith.constant 112 : index
        %swap3A_186 = tpu.vector_load %arg15[%swap3A_184, %swap3A_185] {strides = array<i32>} : memref<80x128xf32, #tpu.memory_space<vmem>>, vector<16xf32>,
        tpu.vector_store %arg15[%swap3A_184, %swap3A_185], %mul3A_183 {strides = array<i32>} : memref<80x128xf32, #tpu.memory_space<vmem>>, vector<16xf32>,
        %swap3A_187 = arith.index_cast %add3A_66 : i32 to index
        %swap3A_188 = arith.constant 0 : index
        %swap3A_189 = tpu.vector_load %arg16[%swap3A_187, %swap3A_188] {strides = array<i32>} : memref<80x16xf32, #tpu.memory_space<vmem>>, vector<16xf32>,
        tpu.vector_store %arg16[%swap3A_187, %swap3A_188], %exp3A {strides = array<i32>} : memref<80x16xf32, #tpu.memory_space<vmem>>, vector<16xf32>,
      }
      %scan3A_49 = arith.constant 80 : i32
      %dma_start3A_50 = arith.constant 0 : i32
      %dma_start3A_51 = arith.constant 0 : i32
      %dma_start3A_52 = tpu.memref_slice %arg18[%dma_start3A_50, %dma_start3A_51] : memref<10240x128xf32, #tpu.memory_space<vmem_shared>> -> memref<10240x128xf32, #tpu.memory_space<vmem_shared>>
      tpu.enqueue_indirect_dma source(%arg15 : memref<80x128xf32, #tpu.memory_space<vmem>>) target(%dma_start3A_52 : memref<10240x128xf32, #tpu.memory_space<vmem_shared>>) offsets(%arg11 : memref<80xi32, #tpu.memory_space<vmem>>) semaphore(%arg20 : memref<!tpu.dma_semaphore, #tpu.memory_space<semaphore_mem>>) {add = true}
      %dma_start3A_53 = arith.constant 0 : i32
      %dma_start3A_54 = arith.constant 0 : i32
      %dma_start3A_55 = tpu.memref_slice %arg19[%dma_start3A_53, %dma_start3A_54] : memref<10240x16xf32, #tpu.memory_space<vmem_shared>> -> memref<10240x16xf32, #tpu.memory_space<vmem_shared>>
      tpu.enqueue_indirect_dma source(%arg16 : memref<80x16xf32, #tpu.memory_space<vmem>>) target(%dma_start3A_55 : memref<10240x16xf32, #tpu.memory_space<vmem_shared>>) offsets(%arg11 : memref<80xi32, #tpu.memory_space<vmem>>) semaphore(%arg20 : memref<!tpu.dma_semaphore, #tpu.memory_space<semaphore_mem>>) {add = true}
      %dma_wait3A_56 = arith.constant 0 : i32
      %dma_wait3A_57 = arith.constant 0 : i32
      %dma_wait3A_58 = tpu.memref_slice %arg18[%dma_wait3A_56, %dma_wait3A_57] : memref<10240x128xf32, #tpu.memory_space<vmem_shared>> -> memref<10240x128xf32, #tpu.memory_space<vmem_shared>>
      tpu.wait_indirect_dma semaphore(%arg20 : memref<!tpu.dma_semaphore, #tpu.memory_space<semaphore_mem>>) src(%arg15 : memref<80x128xf32, #tpu.memory_space<vmem>>) dst(%dma_wait3A_58 : memref<10240x128xf32, #tpu.memory_space<vmem_shared>>)
      %dma_wait3A_59 = arith.constant 0 : i32
      %dma_wait3A_60 = arith.constant 0 : i32
      %dma_wait3A_61 = tpu.memref_slice %arg19[%dma_wait3A_59, %dma_wait3A_60] : memref<10240x16xf32, #tpu.memory_space<vmem_shared>> -> memref<10240x16xf32, #tpu.memory_space<vmem_shared>>
      tpu.wait_indirect_dma semaphore(%arg20 : memref<!tpu.dma_semaphore, #tpu.memory_space<semaphore_mem>>) src(%arg16 : memref<80x16xf32, #tpu.memory_space<vmem>>) dst(%dma_wait3A_61 : memref<10240x16xf32, #tpu.memory_space<vmem_shared>>)
    }
    %scan3A_10 = arith.constant 125 : i32
    %barrier3A_11 = arith.constant 0 : index
    tpu.barrier barrier_id(%barrier3A_11)
    "tpu.region"() ({
      %run_scoped3A = tpu.sem_alloc : memref<!tpu.dma_semaphore, #tpu.memory_space<semaphore_mem>>
      %dma_start3A = arith.constant 0 : i32
      %dma_start3A_12 = arith.constant 0 : i32
      %dma_start3A_13 = tpu.memref_slice %arg9[%arg0, %dma_start3A, %dma_start3A_12] : memref<2x10240x128xf32, #tpu.memory_space<hbm>> -> memref<1x10240x128xf32, #tpu.memory_space<hbm>>
      %dma_start3A_14 = tpu.memref_squeeze %dma_start3A_13 : memref<1x10240x128xf32, #tpu.memory_space<hbm>> -> memref<10240x128xf32, #tpu.memory_space<hbm>>
      %dma_start3A_15 = arith.constant 0 : i32
      %dma_start3A_16 = tpu.memref_slice %dma_start3A_14[%multiple_of3A, %dma_start3A_15] : memref<10240x128xf32, #tpu.memory_space<hbm>> -> memref<640x128xf32, #tpu.memory_space<hbm>>
      %dma_start3A_17 = arith.constant 0 : i32
      %dma_start3A_18 = tpu.memref_slice %arg18[%multiple_of3A, %dma_start3A_17] : memref<10240x128xf32, #tpu.memory_space<vmem_shared>> -> memref<640x128xf32, #tpu.memory_space<vmem_shared>>
      tpu.enqueue_dma source(%dma_start3A_18 : memref<640x128xf32, #tpu.memory_space<vmem_shared>>) target(%dma_start3A_16 : memref<640x128xf32, #tpu.memory_space<hbm>>) target_semaphore(%run_scoped3A : memref<!tpu.dma_semaphore, #tpu.memory_space<semaphore_mem>>)
      %dma_wait3A = arith.constant 0 : i32
      %dma_wait3A_19 = arith.constant 0 : i32
      %dma_wait3A_20 = tpu.memref_slice %arg9[%arg0, %dma_wait3A, %dma_wait3A_19] : memref<2x10240x128xf32, #tpu.memory_space<hbm>> -> memref<1x10240x128xf32, #tpu.memory_space<hbm>>
      %dma_wait3A_21 = tpu.memref_squeeze %dma_wait3A_20 : memref<1x10240x128xf32, #tpu.memory_space<hbm>> -> memref<10240x128xf32, #tpu.memory_space<hbm>>
      %dma_wait3A_22 = arith.constant 0 : i32
      %dma_wait3A_23 = tpu.memref_slice %dma_wait3A_21[%multiple_of3A, %dma_wait3A_22] : memref<10240x128xf32, #tpu.memory_space<hbm>> -> memref<640x128xf32, #tpu.memory_space<hbm>>
      %dma_wait3A_24 = arith.constant 0 : i32
      %dma_wait3A_25 = tpu.memref_slice %arg18[%multiple_of3A, %dma_wait3A_24] : memref<10240x128xf32, #tpu.memory_space<vmem_shared>> -> memref<640x128xf32, #tpu.memory_space<vmem_shared>>
      tpu.wait_dma2 semaphore(%run_scoped3A : memref<!tpu.dma_semaphore, #tpu.memory_space<semaphore_mem>>) src(%dma_wait3A_25 : memref<640x128xf32, #tpu.memory_space<vmem_shared>>) dst(%dma_wait3A_23 : memref<640x128xf32, #tpu.memory_space<hbm>>)
      tpu.yield
    }) : () -> ()
    "tpu.region"() ({
      %run_scoped3A = tpu.sem_alloc : memref<!tpu.dma_semaphore, #tpu.memory_space<semaphore_mem>>
      %dma_start3A = arith.constant 0 : i32
      %dma_start3A_12 = arith.constant 0 : i32
      %dma_start3A_13 = tpu.memref_slice %arg10[%arg0, %dma_start3A, %dma_start3A_12] : memref<2x10240x16xf32, #tpu.memory_space<hbm>> -> memref<1x10240x16xf32, #tpu.memory_space<hbm>>
      %dma_start3A_14 = tpu.memref_squeeze %dma_start3A_13 : memref<1x10240x16xf32, #tpu.memory_space<hbm>> -> memref<10240x16xf32, #tpu.memory_space<hbm>>
      %dma_start3A_15 = arith.constant 0 : i32
      %dma_start3A_16 = tpu.memref_slice %dma_start3A_14[%multiple_of3A, %dma_start3A_15] : memref<10240x16xf32, #tpu.memory_space<hbm>> -> memref<640x16xf32, #tpu.memory_space<hbm>>
      %dma_start3A_17 = arith.constant 0 : i32
      %dma_start3A_18 = tpu.memref_slice %arg19[%multiple_of3A, %dma_start3A_17] : memref<10240x16xf32, #tpu.memory_space<vmem_shared>> -> memref<640x16xf32, #tpu.memory_space<vmem_shared>>
      tpu.enqueue_dma source(%dma_start3A_18 : memref<640x16xf32, #tpu.memory_space<vmem_shared>>) target(%dma_start3A_16 : memref<640x16xf32, #tpu.memory_space<hbm>>) target_semaphore(%run_scoped3A : memref<!tpu.dma_semaphore, #tpu.memory_space<semaphore_mem>>)
      %dma_wait3A = arith.constant 0 : i32
      %dma_wait3A_19 = arith.constant 0 : i32
      %dma_wait3A_20 = tpu.memref_slice %arg10[%arg0, %dma_wait3A, %dma_wait3A_19] : memref<2x10240x16xf32, #tpu.memory_space<hbm>> -> memref<1x10240x16xf32, #tpu.memory_space<hbm>>
      %dma_wait3A_21 = tpu.memref_squeeze %dma_wait3A_20 : memref<1x10240x16xf32, #tpu.memory_space<hbm>> -> memref<10240x16xf32, #tpu.memory_space<hbm>>
      %dma_wait3A_22 = arith.constant 0 : i32
      %dma_wait3A_23 = tpu.memref_slice %dma_wait3A_21[%multiple_of3A, %dma_wait3A_22] : memref<10240x16xf32, #tpu.memory_space<hbm>> -> memref<640x16xf32, #tpu.memory_space<hbm>>
      %dma_wait3A_24 = arith.constant 0 : i32
      %dma_wait3A_25 = tpu.memref_slice %arg19[%multiple_of3A, %dma_wait3A_24] : memref<10240x16xf32, #tpu.memory_space<vmem_shared>> -> memref<640x16xf32, #tpu.memory_space<vmem_shared>>
      tpu.wait_dma2 semaphore(%run_scoped3A : memref<!tpu.dma_semaphore, #tpu.memory_space<semaphore_mem>>) src(%dma_wait3A_25 : memref<640x16xf32, #tpu.memory_space<vmem_shared>>) dst(%dma_wait3A_23 : memref<640x16xf32, #tpu.memory_space<hbm>>)
      tpu.yield
    }) : () -> ()
    return
  }
}

module attributes {stable_mosaic.version = 14 : i64} {
  func.func @body(%arg0: i32, %arg1: memref<1000x128xf32, #tpu.memory_space<vmem>>, %arg2: memref<128x128xf32, #tpu.memory_space<vmem>>, %arg3: memref<1x128xf32, #tpu.memory_space<vmem>>, %arg4: memref<128x128xf32, #tpu.memory_space<vmem>>, %arg5: memref<1x128xf32, #tpu.memory_space<vmem>>, %arg6: memref<128x128xf32, #tpu.memory_space<vmem>>, %arg7: memref<1x128xf32, #tpu.memory_space<vmem>>, %arg8: memref<1000x128xf32, #tpu.memory_space<vmem>>, %arg9: memref<1000x128xf32, #tpu.memory_space<vmem>>, %arg10: memref<1000x128xf32, #tpu.memory_space<vmem>>) attributes {dimension_semantics = [#tpu.dimension_semantics<arbitrary>], iteration_bounds = array<i64: 10>, scalar_prefetch = 0 : i64, scratch_operands = 0 : i64, tpu.core_type = #tpu.core_type<tc>, window_params = [{transform_indices = @transform_0, window_bounds = array<i64: 1000, 128>}, {pipeline_mode = #tpu.pipeline_mode<synchronous>, transform_indices = @transform_1, window_bounds = array<i64: 128, 128>}, {pipeline_mode = #tpu.pipeline_mode<synchronous>, transform_indices = @transform_2, window_bounds = array<i64: 1, 128>}, {pipeline_mode = #tpu.pipeline_mode<synchronous>, transform_indices = @transform_3, window_bounds = array<i64: 128, 128>}, {pipeline_mode = #tpu.pipeline_mode<synchronous>, transform_indices = @transform_4, window_bounds = array<i64: 1, 128>}, {pipeline_mode = #tpu.pipeline_mode<synchronous>, transform_indices = @transform_5, window_bounds = array<i64: 128, 128>}, {pipeline_mode = #tpu.pipeline_mode<synchronous>, transform_indices = @transform_6, window_bounds = array<i64: 1, 128>}, {transform_indices = @transform_7, window_bounds = array<i64: 1000, 128>}, {transform_indices = @transform_8, window_bounds = array<i64: 1000, 128>}, {transform_indices = @transform_9, window_bounds = array<i64: 1000, 128>}]} {
    %get3A = arith.constant 0 : index
    %get3A_0 = arith.constant 0 : index
    %get3A_1 = vector.load %arg1[%get3A, %get3A_0] : memref<1000x128xf32, #tpu.memory_space<vmem>>, vector<1000x128xf32>
    %get3A_2 = arith.constant 0 : index
    %get3A_3 = arith.constant 0 : index
    %get3A_4 = vector.load %arg2[%get3A_2, %get3A_3] : memref<128x128xf32, #tpu.memory_space<vmem>>, vector<128x128xf32>
    %dot_general3A = arith.constant dense<0.000000e+00> : vector<1000x128xf32>
    %dot_general3A_5 = tpu.matmul %get3A_1, %get3A_4, %dot_general3A {dimension_numbers = #tpu.dot_dimension_numbers<[1], [1], [0], [0], [0, 0, 1, 0], [], []>, transpose_lhs_hint = false} : vector<1000x128xf32>, vector<128x128xf32>, vector<1000x128xf32> -> vector<1000x128xf32>
    %get3A_6 = arith.constant 0 : index
    %get3A_7 = arith.constant 0 : index
    %get3A_8 = vector.load %arg3[%get3A_6, %get3A_7] : memref<1x128xf32, #tpu.memory_space<vmem>>, vector<1x128xf32>
    %add3A = vector.broadcast %get3A_8 : vector<1x128xf32> to vector<1000x128xf32>
    %add3A_9 = arith.addf %dot_general3A_5, %add3A : vector<1000x128xf32>
    %mul3A = arith.constant 2.500000e-01 : f32
    %mul3A_10 = vector.broadcast %mul3A : f32 to vector<1000x128xf32>
    %mul3A_11 = arith.mulf %add3A_9, %mul3A_10 : vector<1000x128xf32>
    %swap3A = arith.constant 0 : index
    %swap3A_12 = arith.constant 0 : index
    %swap3A_13 = vector.load %arg8[%swap3A, %swap3A_12] : memref<1000x128xf32, #tpu.memory_space<vmem>>, vector<1000x128xf32>
    tpu.vector_store %arg8[%swap3A, %swap3A_12], %mul3A_11 {strides = array<i32>} : memref<1000x128xf32, #tpu.memory_space<vmem>>, vector<1000x128xf32>,
    %get3A_14 = arith.constant 0 : index
    %get3A_15 = arith.constant 0 : index
    %get3A_16 = vector.load %arg4[%get3A_14, %get3A_15] : memref<128x128xf32, #tpu.memory_space<vmem>>, vector<128x128xf32>
    %dot_general3A_17 = arith.constant dense<0.000000e+00> : vector<1000x128xf32>
    %dot_general3A_18 = tpu.matmul %get3A_1, %get3A_16, %dot_general3A_17 {dimension_numbers = #tpu.dot_dimension_numbers<[1], [1], [0], [0], [0, 0, 1, 0], [], []>, transpose_lhs_hint = false} : vector<1000x128xf32>, vector<128x128xf32>, vector<1000x128xf32> -> vector<1000x128xf32>
    %get3A_19 = arith.constant 0 : index
    %get3A_20 = arith.constant 0 : index
    %get3A_21 = vector.load %arg5[%get3A_19, %get3A_20] : memref<1x128xf32, #tpu.memory_space<vmem>>, vector<1x128xf32>
    %add3A_22 = vector.broadcast %get3A_21 : vector<1x128xf32> to vector<1000x128xf32>
    %add3A_23 = arith.addf %dot_general3A_18, %add3A_22 : vector<1000x128xf32>
    %swap3A_24 = arith.constant 0 : index
    %swap3A_25 = arith.constant 0 : index
    %swap3A_26 = vector.load %arg9[%swap3A_24, %swap3A_25] : memref<1000x128xf32, #tpu.memory_space<vmem>>, vector<1000x128xf32>
    tpu.vector_store %arg9[%swap3A_24, %swap3A_25], %add3A_23 {strides = array<i32>} : memref<1000x128xf32, #tpu.memory_space<vmem>>, vector<1000x128xf32>,
    %get3A_27 = arith.constant 0 : index
    %get3A_28 = arith.constant 0 : index
    %get3A_29 = vector.load %arg6[%get3A_27, %get3A_28] : memref<128x128xf32, #tpu.memory_space<vmem>>, vector<128x128xf32>
    %dot_general3A_30 = arith.constant dense<0.000000e+00> : vector<1000x128xf32>
    %dot_general3A_31 = tpu.matmul %get3A_1, %get3A_29, %dot_general3A_30 {dimension_numbers = #tpu.dot_dimension_numbers<[1], [1], [0], [0], [0, 0, 1, 0], [], []>, transpose_lhs_hint = false} : vector<1000x128xf32>, vector<128x128xf32>, vector<1000x128xf32> -> vector<1000x128xf32>
    %get3A_32 = arith.constant 0 : index
    %get3A_33 = arith.constant 0 : index
    %get3A_34 = vector.load %arg7[%get3A_32, %get3A_33] : memref<1x128xf32, #tpu.memory_space<vmem>>, vector<1x128xf32>
    %add3A_35 = vector.broadcast %get3A_34 : vector<1x128xf32> to vector<1000x128xf32>
    %add3A_36 = arith.addf %dot_general3A_31, %add3A_35 : vector<1000x128xf32>
    %swap3A_37 = arith.constant 0 : index
    %swap3A_38 = arith.constant 0 : index
    %swap3A_39 = vector.load %arg10[%swap3A_37, %swap3A_38] : memref<1000x128xf32, #tpu.memory_space<vmem>>, vector<1000x128xf32>
    tpu.vector_store %arg10[%swap3A_37, %swap3A_38], %add3A_36 {strides = array<i32>} : memref<1000x128xf32, #tpu.memory_space<vmem>>, vector<1000x128xf32>,
    return
  }
  func.func @transform_0(%arg0: i32) -> (i32, i32) {
    %c0_i32 = arith.constant 0 : i32
    %c0_i32_0 = arith.constant 0 : i32
    return %arg0, %c0_i32 : i32, i32
  }
  func.func @transform_1(%arg0: i32) -> (i32, i32) {
    %c0_i32 = arith.constant 0 : i32
    %c0_i32_0 = arith.constant 0 : i32
    %c0_i32_1 = arith.constant 0 : i32
    return %c0_i32, %c0_i32_0 : i32, i32
  }
  func.func @transform_2(%arg0: i32) -> (i32, i32) {
    %c0_i32 = arith.constant 0 : i32
    %c0_i32_0 = arith.constant 0 : i32
    %c0_i32_1 = arith.constant 0 : i32
    return %c0_i32, %c0_i32_0 : i32, i32
  }
  func.func @transform_3(%arg0: i32) -> (i32, i32) {
    %c0_i32 = arith.constant 0 : i32
    %c0_i32_0 = arith.constant 0 : i32
    %c0_i32_1 = arith.constant 0 : i32
    return %c0_i32, %c0_i32_0 : i32, i32
  }
  func.func @transform_4(%arg0: i32) -> (i32, i32) {
    %c0_i32 = arith.constant 0 : i32
    %c0_i32_0 = arith.constant 0 : i32
    %c0_i32_1 = arith.constant 0 : i32
    return %c0_i32, %c0_i32_0 : i32, i32
  }
  func.func @transform_5(%arg0: i32) -> (i32, i32) {
    %c0_i32 = arith.constant 0 : i32
    %c0_i32_0 = arith.constant 0 : i32
    %c0_i32_1 = arith.constant 0 : i32
    return %c0_i32, %c0_i32_0 : i32, i32
  }
  func.func @transform_6(%arg0: i32) -> (i32, i32) {
    %c0_i32 = arith.constant 0 : i32
    %c0_i32_0 = arith.constant 0 : i32
    %c0_i32_1 = arith.constant 0 : i32
    return %c0_i32, %c0_i32_0 : i32, i32
  }
  func.func @transform_7(%arg0: i32) -> (i32, i32) {
    %c0_i32 = arith.constant 0 : i32
    %c0_i32_0 = arith.constant 0 : i32
    return %arg0, %c0_i32 : i32, i32
  }
  func.func @transform_8(%arg0: i32) -> (i32, i32) {
    %c0_i32 = arith.constant 0 : i32
    %c0_i32_0 = arith.constant 0 : i32
    return %arg0, %c0_i32 : i32, i32
  }
  func.func @transform_9(%arg0: i32) -> (i32, i32) {
    %c0_i32 = arith.constant 0 : i32
    %c0_i32_0 = arith.constant 0 : i32
    return %arg0, %c0_i32 : i32, i32
  }
}

module attributes {stable_mosaic.version = 14 : i64} {
  func.func @body(%arg0: i32, %arg1: memref<2x1024x128xf32, #tpu.memory_space<vmem>>, %arg2: memref<2x1024x16xf32, #tpu.memory_space<vmem>>, %arg3: memref<1024x128xf32, #tpu.memory_space<vmem>>) attributes {dimension_semantics = [#tpu.dimension_semantics<arbitrary>], iteration_bounds = array<i64: 10>, scalar_prefetch = 0 : i64, scratch_operands = 0 : i64, tpu.core_type = #tpu.core_type<tc>, window_params = [{transform_indices = @transform_0, window_bounds = array<i64: 2, 1024, 128>}, {transform_indices = @transform_1, window_bounds = array<i64: 2, 1024, 16>}, {transform_indices = @transform_2, window_bounds = array<i64: 1024, 128>}]} {
    %get3A = arith.constant 0 : index
    %get3A_0 = arith.constant 0 : index
    %get3A_1 = arith.constant 0 : index
    %get3A_2 = vector.load %arg1[%get3A, %get3A_0, %get3A_1] : memref<2x1024x128xf32, #tpu.memory_space<vmem>>, vector<1x1024x128xf32>
    %get3A_3 = vector.shape_cast %get3A_2 : vector<1x1024x128xf32> to vector<1024x128xf32>
    %get3A_4 = arith.constant 1 : index
    %get3A_5 = arith.constant 0 : index
    %get3A_6 = arith.constant 0 : index
    %get3A_7 = vector.load %arg1[%get3A_4, %get3A_5, %get3A_6] : memref<2x1024x128xf32, #tpu.memory_space<vmem>>, vector<1x1024x128xf32>
    %get3A_8 = vector.shape_cast %get3A_7 : vector<1x1024x128xf32> to vector<1024x128xf32>
    %add3A = arith.addf %get3A_3, %get3A_8 : vector<1024x128xf32>
    %get3A_9 = arith.constant 0 : index
    %get3A_10 = arith.constant 0 : index
    %get3A_11 = arith.constant 0 : index
    %get3A_12 = vector.load %arg2[%get3A_9, %get3A_10, %get3A_11] : memref<2x1024x16xf32, #tpu.memory_space<vmem>>, vector<1x1024x16xf32>
    %get3A_13 = vector.shape_cast %get3A_12 : vector<1x1024x16xf32> to vector<1024x16xf32>
    %get3A_14 = arith.constant 1 : index
    %get3A_15 = arith.constant 0 : index
    %get3A_16 = arith.constant 0 : index
    %get3A_17 = vector.load %arg2[%get3A_14, %get3A_15, %get3A_16] : memref<2x1024x16xf32, #tpu.memory_space<vmem>>, vector<1x1024x16xf32>
    %get3A_18 = vector.shape_cast %get3A_17 : vector<1x1024x16xf32> to vector<1024x16xf32>
    %add3A_19 = arith.addf %get3A_13, %get3A_18 : vector<1024x16xf32>
    %concatenate3A = tpu.concatenate %add3A_19, %add3A_19, %add3A_19, %add3A_19, %add3A_19, %add3A_19, %add3A_19, %add3A_19 in 1 : vector<1024x16xf32>, vector<1024x16xf32>, vector<1024x16xf32>, vector<1024x16xf32>, vector<1024x16xf32>, vector<1024x16xf32>, vector<1024x16xf32>, vector<1024x16xf32> -> vector<1024x128xf32>
    %eq3A = arith.constant 0.000000e+00 : f32
    %eq3A_20 = vector.broadcast %eq3A : f32 to vector<1024x128xf32>
    %eq3A_21 = arith.cmpf oeq, %concatenate3A, %eq3A_20 : vector<1024x128xf32>
    %jit3A = arith.constant 1.000000e+00 : f32
    %broadcast_in_dim3A = vector.broadcast %jit3A : f32 to vector<1024x128xf32>
    %select_n3A = arith.select %eq3A_21, %broadcast_in_dim3A, %concatenate3A : vector<1024x128xi1>, vector<1024x128xf32>
    %div3A = arith.divf %add3A, %select_n3A : vector<1024x128xf32>
    %swap3A = arith.constant 0 : index
    %swap3A_22 = arith.constant 0 : index
    %swap3A_23 = vector.load %arg3[%swap3A, %swap3A_22] : memref<1024x128xf32, #tpu.memory_space<vmem>>, vector<1024x128xf32>
    tpu.vector_store %arg3[%swap3A, %swap3A_22], %div3A {strides = array<i32>} : memref<1024x128xf32, #tpu.memory_space<vmem>>, vector<1024x128xf32>,
    return
  }
  func.func @transform_0(%arg0: i32) -> (i32, i32, i32) {
    %c0_i32 = arith.constant 0 : i32
    %c0_i32_0 = arith.constant 0 : i32
    %c0_i32_1 = arith.constant 0 : i32
    return %c0_i32, %arg0, %c0_i32_0 : i32, i32, i32
  }
  func.func @transform_1(%arg0: i32) -> (i32, i32, i32) {
    %c0_i32 = arith.constant 0 : i32
    %c0_i32_0 = arith.constant 0 : i32
    %c0_i32_1 = arith.constant 0 : i32
    return %c0_i32, %arg0, %c0_i32_0 : i32, i32, i32
  }
  func.func @transform_2(%arg0: i32) -> (i32, i32) {
    %c0_i32 = arith.constant 0 : i32
    %c0_i32_0 = arith.constant 0 : i32
    return %arg0, %c0_i32 : i32, i32
  }
}

</mosaic_0001>

<sc_bundles>
// kernel: kernel.5.cloned.1.call-start
scs
__scs_entry_jumppad:
0x0: {  	(pc) =	sbr.rel $0x88, $3  }
0x1: {  	(tag) =	ssettag $0x0;
	lr =	simm.s32 $0x1  }
0x2: {  	[smem:$0x3F99] =	sst lr;
	_ =	strace $0xD0000000  }
0x3: {  	_ = 	snop  }
0x4: {  	_ = 	snop  }
0x5: {  	_ = 	snop  }
0x6: {  	_ = 	snop  }
0x7: {  	_ = 	snop  }
__scs_overlays_trampoline_lowered:
0x8: {  	[smem:$0x3FA8] =	sst s0  }
0x9: {  	[smem:$0x3FA9] =	sst s1  }
0xa: {  	[smem:$0x3FAA] =	sst s2  }
0xb: {  	[smem:$0x3FAB] =	sst s3  }
0xc: {  	[smem:$0x3FAC] =	sst s4  }
0xd: {  	[smem:$0x3FAD] =	sst s5  }
0xe: {  	[smem:$0x3FAE] =	sst s6  }
0xf: {  	[smem:$0x3FAF] =	sst s7  }
0x10: {  	[smem:$0x3FB0] =	sst s8  }
0x11: {  	[smem:$0x3FB1] =	sst s9;
	s0 =	simm.s32 @!p0 $0x0  }
0x12: {  	s1 =	sld [smem:$0x3F97];
	s0 =	simm.s32 @p0 $0x1  }
0x13: {  	[smem:$0x3FB2] =	sst s0;
	s0 =	simm.s32 @!p1 $0x0  }
0x14: {  	s2 =	sld [smem:$0x3F96];
	s0 =	simm.s32 @p1 $0x1  }
0x15: {  	[smem:$0x3FB3] =	sst s0;
	s0 =	simm.s32 @!p2 $0x0  }
0x16: {  	s3 =	sld [smem:$0x3FDB];
	s0 =	simm.s32 @p2 $0x1  }
0x17: {  	s4 =	simm.s32 $0x1BF5;
	[smem:$0x3FB5] =	sst s0  }
0x18: {  	s0 =	sld [smem:$0x3F98];
	_ =	swait.ge [sflag:s4], $0x0  }
0x19: {  	s7 =	sld [smem:$0x3F99]  }
0x1a: {  	s8 =	sadd.s32 $0xFFFFE003, lr  }
0x1b: {  	s9 =	sadd.s32 $0xFFFFFEF7, lr;
	s5 =	simm.s32 $0xFFFFFFFF;
	p2 =	slt.u32 s8, $0xFFFFF086  }
0x1c: {  	p1 =	slt.u32 s9, $0xF7A;
	s5 =	simm.s32 @!p2 $0x0  }
0x1d: {  	s5 =	simm.s32 @p1 $0x1;
	p0 =	seq.s32 s7, s2  }
0x1e: {  	s7 =	smul.u32 @!p0 $0xF7A, s2;
	p2 =	seq.s32 @!p0 s5, $0x0  }
0x1f: {  	s9 =	smul.u32 $0xF7A, s1;
	s8 =	simm.s32 @!p0 $0x1BF5;
	p2 =	por !p2, p0  }
0x20: {  	[sflag:s8] =	ssyncset.s32 @!p0 $0xFFFFF086;
	s6 =	sadd.s32 @!p0 s3, s7;
	s7 =	simm.s32 @!p0 $0x108  }
0x21: {  	s3 =	sadd.s32 s3, s9;
	s6 =	sadd.s32 @!p0 $0x88, s6;
	s7 =	simm.s32 @p2 $0x1082  }
0x22: {  	[simem:s7], [sflag:s8] =	dma.local @!p0 [hbm:s6], $0xF7A  }
0x23: {  	s9 =	sor.u32 $0xD0000000, s2;
	s6 =	simm.s32 $0x108;
	_ =	swait.ge @!p0 [sflag:s8], $0x0  }
0x24: {  	s3 =	sadd.s32 $0x88, s3;
	s6 =	simm.s32 @!p1 $0x1082;
	[sflag:s4] =	ssyncset.s32 $0xFFFFF086  }
0x25: {  	[simem:s6], [sflag:s4] =	dma.local [hbm:s3], $0xF7A  }
0x26: {  	[smem:$0x3F99] =	sst s1;
	(tag) =	ssettag s2;
	_ =	strace s9  }
0x27: {  	s1 =	sld [smem:$0x3FA9]  }
0x28: {  	s2 =	sld [smem:$0x3FAA]  }
0x29: {  	s4 =	sld [smem:$0x3FAC]  }
0x2a: {  	p0 =	seq.s32 s5, $0x0;
	s5 =	sld [smem:$0x3FAD]  }
0x2b: {  	s6 =	sld [smem:$0x3FAE]  }
0x2c: {  	s7 =	sld [smem:$0x3FAF]  }
0x2d: {  	s3 =	simm.s32 $0x108;
	s8 =	sld [smem:$0x3FB0]  }
0x2e: {  	s3 =	simm.s32 @!p0 $0x1082;
	s9 =	sld [smem:$0x3FB1]  }
0x2f: {  	lr =	sadd.s32 s0, s3;
	s0 =	sld [smem:$0x3FA8]  }
0x30: {  	s3 =	sld [smem:$0x3FAB]  }
0x31: {  	[smem:$0x3FB4] =	sst s10  }
0x32: {  	s10 =	sld [smem:$0x3FB2];
	_ =	sdelay $0x3  }
0x33: {  	p0 =	seq.s32 s10, $0x1;
	s10 =	sld [smem:$0x3FB4];
	_ =	sdelay $0x3  }
0x34: {  	[smem:$0x3FB4] =	sst s10  }
0x35: {  	s10 =	sld [smem:$0x3FB3];
	_ =	sdelay $0x3  }
0x36: {  	p1 =	seq.s32 s10, $0x1;
	s10 =	sld [smem:$0x3FB4];
	_ =	sdelay $0x3  }
0x37: {  	[smem:$0x3FB4] =	sst s10  }
0x38: {  	s10 =	sld [smem:$0x3FB5]  }
0x39: {  	_ = 	snop;
	(pc) =	sbr.ind lr, $3  }
0x3a: {  	_ = 	snop  }
0x3b: {  	_ = 	snop  }
0x3c: {  	p2 =	seq.s32 s10, $0x1;
	s10 =	sld [smem:$0x3FB4]  }
0x3d: {  	_ =	shalt  }
0x3e: {  	_ =	shalt  }
0x3f: {  	_ =	shalt  }
0x40: {  	_ =	shalt  }
0x41: {  	_ =	shalt  }
0x42: {  	_ =	shalt  }
0x43: {  	_ =	shalt  }
0x44: {  	_ =	shalt  }
0x45: {  	_ =	shalt  }
0x46: {  	_ =	shalt  }
0x47: {  	_ =	shalt  }
0x48: {  	_ =	shalt  }
0x49: {  	_ =	shalt  }
0x4a: {  	_ =	shalt  }
0x4b: {  	_ =	shalt  }
0x4c: {  	_ =	shalt  }
0x4d: {  	_ =	shalt  }
0x4e: {  	_ =	shalt  }
0x4f: {  	_ =	shalt  }
0x50: {  	_ =	shalt  }
0x51: {  	_ =	shalt  }
0x52: {  	_ =	shalt  }
0x53: {  	_ =	shalt  }
0x54: {  	_ =	shalt  }
0x55: {  	_ =	shalt  }
0x56: {  	_ =	shalt  }
0x57: {  	_ =	shalt  }
0x58: {  	_ =	shalt  }
0x59: {  	_ =	shalt  }
0x5a: {  	_ =	shalt  }
0x5b: {  	_ =	shalt  }
0x5c: {  	_ =	shalt  }
0x5d: {  	_ =	shalt  }
0x5e: {  	_ =	shalt  }
0x5f: {  	_ =	shalt  }
0x60: {  	_ =	shalt  }
0x61: {  	_ =	shalt  }
0x62: {  	_ =	shalt  }
0x63: {  	_ =	shalt  }
0x64: {  	_ =	shalt  }
0x65: {  	_ =	shalt  }
0x66: {  	_ =	shalt  }
0x67: {  	_ =	shalt  }
0x68: {  	_ =	shalt  }
0x69: {  	_ =	shalt  }
0x6a: {  	_ =	shalt  }
0x6b: {  	_ =	shalt  }
0x6c: {  	_ =	shalt  }
0x6d: {  	_ =	shalt  }
0x6e: {  	_ =	shalt  }
0x6f: {  	_ =	shalt  }
0x70: {  	_ =	shalt  }
0x71: {  	_ =	shalt  }
0x72: {  	_ =	shalt  }
0x73: {  	_ =	shalt  }
0x74: {  	_ =	shalt  }
0x75: {  	_ =	shalt  }
0x76: {  	_ =	shalt  }
0x77: {  	_ =	shalt  }
0x78: {  	_ =	shalt  }
0x79: {  	_ =	shalt  }
0x7a: {  	_ =	shalt  }
0x7b: {  	_ =	shalt  }
0x7c: {  	_ =	shalt  }
0x7d: {  	_ =	shalt  }
0x7e: {  	_ =	shalt  }
0x7f: {  	_ =	shalt  }
0x80: {  	_ =	shalt  }
0x81: {  	_ =	shalt  }
0x82: {  	_ =	shalt  }
0x83: {  	_ =	shalt  }
0x84: {  	_ =	shalt  }
0x85: {  	_ =	shalt  }
0x86: {  	_ =	shalt  }
0x87: {  	_ =	shalt  }
.Lfunc_end0:
.L_simem_size_0:
called_computation_lowered:
.L_overlay_start_0:
0x88: {  	s2 =	sld [smem:$0x3FD9]  }
0x89: {  	s3 =	sld [smem:$0x3FFE];
	_ =	sdelay $0x1  }
0x8a: {  	s1 =	srdreg.scid  }
0x8b: {  	s0 =	sand.u32 $0x1, s1  }
0x8c: {  	s17 =	sshll.u32 s0, $0xA;
	s2 =	sadd.s32 s3, s2  }
0x8d: {  	s2 =	sadd.s32 s2, s17  }
0x8e: {  	[smem:$0x3FC0] =	sst s2  }
0x8f: {  	_ = 	snop  }
0x90: {  	s2 =	sld [smem:$0x3FD0];
	(tm) =	ssettm $0x1  }
0x91: {  	s18 =	sld [smem:$0x3FFB];
	_ =	sdelay $0x3  }
0x92: {  	_ =	strace s18  }
0x93: {  	s3 =	sld [smem:$0x3FFC];
	_ =	sdelay $0x3  }
0x94: {  	_ =	strace s3  }
0x95: {  	s3 =	sld [smem:$0x3FFD];
	_ =	sdelay $0x3  }
0x96: {  	_ =	strace s3  }
0x97: {  	_ =	strace $0x8FFFFFFF  }
0x98: {  	s19 =	sld [smem:$0x3FDB];
	_ =	sdelay $0x1  }
0x99: {  	s4 =	simm.s32 $_scs_section_size  }
0x9a: {  	s5 =	simm.s32 $_size__tile_overlayer_lowered;
	s6 =	simm.s32 $_tile_overlayer_lowered  }
0x9b: {  	s22 =	simm.s32 $0x1BFF;
	s21 =	sshll.u32 s6, $0x1;
	s3 =	sadd.s32 s4, s19  }
0x9c: {  	s7 =	simm.s32 $0x0;
	s20 =	sshll.u32 s5, $0x1;
	s5 =	sadd.s32 s21, s3  }
0x9d: {  	[timem:s7], [sflag:s22] =	dma.local [hbm:s5], s20  }
0x9e: {  	_ =	swait.ge [sflag:s22], s20  }
0x9f: {  	s4 =	ssub.s32 $0x0, s20;
	[sflag:s22] =	ssyncset.done $0x0  }
0xa0: {  	[sflag:s22] =	ssyncadd.s32 s4;
	_ =	sdelay $0x1  }
0xa1: {  	s23 =	simm.s32 $0x1B8B  }
0xa2: {  	_ =	swait.ge [sflag:s23], $0x1  }
0xa3: {  	[sflag:s23] =	ssyncset.done $0x0  }
0xa4: {  	s25 =	simm.s32 $0x1B8E;
	s24 =	sld [smem:$0x3FFE];
	[sflag:s23] =	ssyncadd.s32 $0xFFFFFFFF  }
0xa5: {  	s26 =	simm.s32 $execute0_lowered;
	[smem:$0x3FD2] =	sst s25  }
0xa6: {  	s5 =	sshll.u32 s26, $0x1;
	_ =	strace $0x80000046;
	[dreg:$0x1] =	wrdreg $0xFFFFFFFF  }
0xa7: {  	s28 =	simm.s32 $_size_execute0_lowered;
	s3 =	sadd.s32 s3, s5;
	[dreg:$0x0] =	wrdreg $0x0  }
0xa8: {  	s5 =	sshll.u32 s28, $0x1;
	[dreg:$0x2] =	wrdreg s3  }
0xa9: {  	[dreg:$0x3] =	wrdreg s5  }
0xaa: {  	[dreg:$0x4] =	wrdreg $0xC0  }
0xab: {  	_ =	task [dreg:s7], $0x5FFFF  }
0xac: {  	[dreg:$0x1] =	wrdreg $0xFFFFFFFF  }
0xad: {  	[dreg:$0x0] =	wrdreg $0x60  }
0xae: {  	[dreg:$0x2] =	wrdreg s2  }
0xaf: {  	[dreg:$0x3] =	wrdreg s24  }
0xb0: {  	[dreg:$0x4] =	wrdreg $0x7DB00  }
0xb1: {  	[dreg:$0x5] =	wrdreg $0x1BDB00  }
0xb2: {  	[dreg:$0x6] =	wrdreg $0x9  }
0xb3: {  	_ =	task.clear_ibuf [dreg:s7], $0x7FFFF;
	_ =	strace $0x90000046  }
0xb4: {  	s29 =	simm.s32 $0x9;
	_ =	strace $0x80000048  }
0xb5: {  	_ =	swait.ge [sflag:s29], $0x1  }
0xb6: {  	[sflag:s29] =	ssyncadd.s32 $0xFFFFFFFF  }
0xb7: {  	_ =	strace $0x90000048  }
0xb8: {  	_ =	sfence  }
0xb9: {  	s30 =	sld [smem:$0x0];
	_ =	sdelay $0x2  }
0xba: {  	s31 =	sshll.u32 s1, $0xD;
	s1 =	sshrl.u32 s1, $0x2  }
0xbb: {  	s3 =	sand.u32 $0x4000, s31;
	s1 =	sadd.s32 s1, s30  }
0xbc: {  	s0 =	sor.u32 s3, s0;
	s1 =	sshll.u32 s1, $0x11  }
0xbd: {  	s0 =	sor.u32 s1, s0  }
0xbe: {  	s0 =	sadd.s32 $0x8F2B, s0  }
0xbf: {  	[sflag:s0] =	ssyncadd.remote.s32 $0x1  }
0xc0: {  	_ =	sfence.sel $0xFFFF  }
0xc1: {  	[dreg:$0x0] =	wrdreg $0xFFFFFFFF;
	(pc) =	sbr.abs _section_cstart, $3  }
0xc2: {  	[dreg:$0x1] =	wrdreg $0xFFFFFFFF  }
0xc3: {  	_ =	task.clear_ibuf [dreg:s7], $0x2FFFF;
	_ =	strace $0x9FFFFFFF  }
0xc4: {  	(tm) =	ssettm $0x7FFFFFFF  }
0xc5: {  	_ =	shalt  }
tec
execute0_lowered:
.L_overlay_start_1:
0x0: {  	(tag) =	ssettag $0x1  }
0x1: {  	s1 =	rddreg [dreg:$0x0]  }
0x2: {  	s0 =	rddreg [dreg:$0x1]  }
0x3: {  	s2 =	rddreg [dreg:$0x2]  }
0x4: {  	s3 =	rddreg [dreg:$0x3];
	s4 =	simm.s32 $0x0  }
0x5: {  	s6 =	srdreg.scid;
	s16 =	stileid.u32;
	s19 =	simm.s32 $0x1  }
0x6: {  	s20 =	simm.s32 $0xA0;
	s21 =	simm.s32 $0x28A0;
	s28 =	simm.s32 $0x0  }
0x7: {  	[smem:$0x7FF] =	sst s4;
	s5 =	sadd.s32 $0x3C600, s0;
	s7 =	sand.u32 $0x1, s6  }
0x8: {  	s6 =	sadd.s32 $0x15400, s0;
	s8 =	sadd.s32 $0xB600, s0;
	s12 =	smul.u32 $0x14000, s16  }
0x9: {  	s9 =	sadd.s32 $0x1800, s0;
	s14 =	sshll.u32 s16, $0x1;
	s29 =	smul.u32 $0x2800, s16  }
0xa: {  	s26 =	sshll.u32 s16, $0x6;
	_ =	strace $0x80000047;
	s10 =	smul.u32 $0x28000, s7  }
0xb: {  	s11 =	smul.u32 $0x5000, s7;
	s23 =	ssub.s32 $0x2, s7;
	s7 =	sor.u32 s7, s14  }
0xc: {  	s24 =	sshrl.u32 s23, $0x1;
	s22 =	sshrl.u32 s12, $0x3;
	s30 =	sadd.s32 s12, s2  }
0xd: {  	s17 =	sadd.s32 s29, s3;
	s12 =	smul.u32 $0x2710, s7;
	s13 =	sadd.s32 s10, s0  }
0xe: {  	v0 =	vimm.s32 $0xFEDCBA98;
	s0 =	sadd.s32 s11, s0;
	s15 =	ssub.s32 s23, s24;
	s11 =	sor.u32 $0x1C02, s26  }
0xf: {  	v1 =	vimm.s32 $0x76543210;
	v0 =	vunpack.c.l.s4.s8 v0;
	s24 =	sshrl.u32 s29, $0x3;
	s14 =	sshrl.u32 s30, $0x3;
	s17 =	sshrl.u32 s17, $0x3  }
0x10: {  	v1 =	vunpack.c.l.s4.s8 v1;
	s23 =	simm.s32 $0x50A0;
	s26 =	simm.s32 $0x78A0;
	s25 =	sadd.s32 s22, s13  }
0x11: {  	v0 =	vunpack.c.0.s8.s32 v0;
	s18 =	sadd.s32 $0x63800, s0;
	s31 =	sadd.s32 $0xC7800, s13;
	s0 =	sadd.s32 $0xBD800, s0  }
0x12: {  	v1 =	vunpack.c.0.s8.s32 v1;
	s13 =	smax.u32 s15, $0x1;
	s15 =	simm.s32 $0x2;
	s10 =	sadd.s32 $0x6D800, s25  }
0x13: {  	v0 =	vand.u32 $0xF, v0;
	s16 =	sadd.s32 s24, s18;
	s18 =	simm.s32 $0x50;
	s22 =	sadd.s32 s22, s31  }
0x14: {  	s24 =	sadd.s32 s24, s0;
	v0 =	vcombine.low v0, v1;
	s25 =	simm.s32 $0x7DA0;
	[dreg:$0x5] =	wrdreg s10  }
.LBB2_1:
0x15: {  	s0 =	rddreg [dreg:$0x5]  }
0x16: {  	[spmem:s14], [sflag:s11] =	dma.local [hbm:s0], $0x2800  }
0x17: {  	_ =	swait.ge [sflag:s15], $0x2800  }
0x18: {  	[sflag:s15] =	ssyncset.done $0x0  }
0x19: {  	[sflag:s15] =	ssyncadd.s32 $0xFFFFD800  }
0x1a: {  	[spmem:s17], [sflag:s11] =	dma.local [hbm:s16], $0x500  }
0x1b: {  	_ =	swait.ge [sflag:s15], $0x500  }
0x1c: {  	[sflag:s15] =	ssyncset.done $0x0  }
0x1d: {  	[sflag:s15] =	ssyncadd.s32 $0xFFFFFB00  }
0x1e: {  	s29 =	simm.s32 $0x0;
	[bflag:$0x0] =	sbarrier.arrive $0xFFFF  }
.LBB2_2:
0x1f: {  	s0 =	smul.u32 $0x50, s29;
	_ =	sdelay $0x1  }
0x20: {  	s0 =	sadd.s32 s12, s0  }
0x21: {  	s0 =	sshrl.u32 s0, $0x3  }
0x22: {  	s30 =	simm.s32 $0x0;
	s7 =	sadd.s32 s8, s0  }
0x23: {  	[tilespmem:s30], [sflag:$0x1] =	stream.linear.gather [hbm4b:s7+s30], $0x50, $0x38;
	[tilespmem:$0x1E5B0] =	vst v63  }
0x24: {  	s0 =	sadd.s32 s9, s0  }
0x25: {  	[tilespmem:s18], [sflag:$0x1] =	stream.linear.gather [hbm4b:s0+s30], $0x50, $0x38;
	[tilespmem:$0x1E5B0] =	vst v63  }
0x26: {  	_ =	swait.ge [sflag:s19], $0x50  }
0x27: {  	[sflag:s19] =	ssyncset.done $0x0  }
0x28: {  	[sflag:s19] =	ssyncadd.s32 $0xFFFFFFB0  }
0x29: {  	_ =	swait.ge [sflag:s19], $0x50  }
0x2a: {  	[sflag:s19] =	ssyncset.done $0x0  }
0x2b: {  	[sflag:s19] =	ssyncadd.s32 $0xFFFFFFB0  }
0x2c: {  	[tilespmem:s20], [sflag:$0x1] =	stream.indirect.gather [hbm4b:s1+s18], $0x80, s30, s18, $0xb8;
	[tilespmem:$0x1E5B0] =	vst v63  }
0x2d: {  	_ = 	snop  }
0x2e: {  	[tilespmem:s21], [sflag:$0x1] =	stream.indirect.gather [hbm4b:s5+s18], $0x80, s18, s18, $0xb8;
	[tilespmem:$0x1E5B0] =	vst v63  }
0x2f: {  	_ = 	snop  }
0x30: {  	[tilespmem:s23], [sflag:$0x1] =	stream.indirect.gather [hbm4b:s6+s18], $0x80, s18, s18, $0xb8;
	[tilespmem:$0x1E5B0] =	vst v63  }
0x31: {  	_ =	swait.ge [sflag:s19], $0x2800  }
0x32: {  	[sflag:s19] =	ssyncset.done $0x0  }
0x33: {  	[sflag:s19] =	ssyncadd.s32 $0xFFFFD800  }
0x34: {  	_ =	swait.ge [sflag:s19], $0x2800  }
0x35: {  	[sflag:s19] =	ssyncset.done $0x0  }
0x36: {  	[sflag:s19] =	ssyncadd.s32 $0xFFFFD800  }
0x37: {  	_ =	swait.ge [sflag:s19], $0x2800  }
0x38: {  	[sflag:s19] =	ssyncset.done $0x0  }
0x39: {  	s30 =	simm.s32 $0x0;
	[sflag:s19] =	ssyncadd.s32 $0xFFFFD800  }
0x3a: {  	v1 =	vld [tilespmem:s30+$0x28B0]  }
0x3b: {  	v2 =	vld [tilespmem:s30+$0xA0]  }
0x3c: {  	v3 =	vld [tilespmem:s30+$0xB0]  }
0x3d: {  	v4 =	vld [tilespmem:s30+$0x28A0]  }
0x3e: {  	v5 =	vld [tilespmem:s30+$0x28C0]  }
0x3f: {  	v6 =	vld [tilespmem:s30+$0xC0]  }
0x40: {  	v7 =	vld [tilespmem:s30+$0x28D0]  }
0x41: {  	v8 =	vld [tilespmem:s30+$0xD0]  }
0x42: {  	v1 =	vmul.f32 v1, v3;
	v2 =	vmul.f32 v4, v2;
	v3 =	vld [tilespmem:s30+$0x28E0]  }
0x43: {  	v4 =	vld [tilespmem:s30+$0xE0]  }
0x44: {  	v1 =	vadd.f32 v1, v2;
	v2 =	vmul.f32 v5, v6;
	v5 =	vld [tilespmem:s30+$0x28F0]  }
0x45: {  	v6 =	vld [tilespmem:s30+$0xF0]  }
0x46: {  	v1 =	vadd.f32 v2, v1;
	v2 =	vmul.f32 v7, v8;
	v7 =	vld [tilespmem:s30+$0x2900]  }
0x47: {  	v8 =	vld [tilespmem:s30+$0x100]  }
0x48: {  	v1 =	vadd.f32 v2, v1;
	v2 =	vmul.f32 v3, v4;
	v3 =	vld [tilespmem:s30+$0x2910]  }
0x49: {  	v4 =	vld [tilespmem:s30+$0x110]  }
0x4a: {  	v1 =	vadd.f32 v2, v1;
	v2 =	vmul.f32 v5, v6;
	_ =	sdelay $0x1  }
0x4b: {  	v1 =	vadd.f32 v2, v1;
	v2 =	vmul.f32 v7, v8;
	_ =	sdelay $0x1  }
0x4c: {  	v1 =	vadd.f32 v2, v1;
	v2 =	vmul.f32 v3, v4;
	_ =	sdelay $0x1  }
0x4d: {  	v1 =	vadd.f32 v2, v1;
	_ =	sdelay $0x1  }
0x4e: {  	[tilespmem:$0x7DA0] =	vst v1  }
0x4f: {  	v2 =	vld.idx.msk [tilespmem:v0+s25+$0x0], $0xffff;
	_ =	sdelay $0x4  }
0x50: {  	v1 =	vadd.f32 v2, v1;
	_ =	sdelay $0x1  }
0x51: {  	v1 =	vmul.f32 $1.442695020e+00, v1;
	_ =	sdelay $0x1  }
0x52: {  	(erf) = vpow2.f32 v1;
	_ =	sdelay $0x1  }
0x53: {  	v3 =	vld [tilespmem:s30+$0x5100]  }
0x54: {  	v4 =	vld [tilespmem:s30+$0x50B0]  }
0x55: {  	v6 =	vld [tilespmem:s30+$0x50D0]  }
0x56: {  	v9 =	vld [tilespmem:s30+$0x50E0]  }
0x57: {  	v8 =	vld [tilespmem:s30+$0x50C0]  }
0x58: {  	v7 =	vld [tilespmem:s30+$0x50A0]  }
0x59: {  	v5 =	vld [tilespmem:s30+$0x50F0]  }
0x5a: {  	s31 =	simm.s32 $0x78A0;
	s7 =	simm.s32 $0x200;
	s0 =	simm.s32 $0x78A0;
	v1 =	vld [tilespmem:s30+$0x5110];
	v2 =	vpop (erf)  }
.LBB2_3:
0x5b: {  	p0 =	sne.s32 s7, $0x9E00  }
0x5c: {  	v9 =	vmul.f32 v9, v2;
	s0 =	sadd.s32 $0x10, s0;
	s10 =	smov.u32 s7;
	s7 =	sadd.s32 $0x200, s7  }
0x5d: {  	v6 =	vmul.f32 v6, v2;
	v8 =	vmul.f32 v8, v2  }
0x5e: {  	v4 =	vmul.f32 v4, v2;
	v7 =	vmul.f32 v2, v7;
	[tilespmem:s30+$0x50E0] =	vst v9  }
0x5f: {  	v3 =	vmul.f32 v3, v2;
	[tilespmem:s30+$0x50C0] =	vst v8;
	v5 =	vmul.f32 v5, v2  }
0x60: {  	[tilespmem:s30+$0x50D0] =	vst v6  }
0x61: {  	v1 =	vmul.f32 v1, v2;
	[tilespmem:s30+$0x5100] =	vst v3  }
0x62: {  	[tilespmem:s30+$0x50A0] =	vst v7  }
0x63: {  	[tilespmem:s30+$0x5110] =	vst v1  }
0x64: {  	[tilespmem:s30+$0x50B0] =	vst v4  }
0x65: {  	[tilespmem:s30+$0x50F0] =	vst v5  }
0x66: {  	s30 =	sshra.s32 s10, $0x2;
	[tilespmem:s31+$0x0] =	vst v2;
	s31 =	smov.u32 s0  }
0x67: {  	v1 =	vld [tilespmem:s30+$0x28B0]  }
0x68: {  	v2 =	vld [tilespmem:s30+$0xA0]  }
0x69: {  	v3 =	vld [tilespmem:s30+$0xB0]  }
0x6a: {  	v4 =	vld [tilespmem:s30+$0x28A0]  }
0x6b: {  	v5 =	vld [tilespmem:s30+$0x28C0]  }
0x6c: {  	v6 =	vld [tilespmem:s30+$0xC0]  }
0x6d: {  	v7 =	vld [tilespmem:s30+$0x28D0]  }
0x6e: {  	v1 =	vmul.f32 v1, v3;
	v3 =	vld [tilespmem:s30+$0xD0]  }
0x6f: {  	v2 =	vmul.f32 v4, v2;
	v4 =	vld [tilespmem:s30+$0x28E0]  }
0x70: {  	v8 =	vld [tilespmem:s30+$0xE0]  }
0x71: {  	v1 =	vadd.f32 v1, v2;
	v2 =	vmul.f32 v5, v6;
	v5 =	vld [tilespmem:s30+$0x28F0]  }
0x72: {  	v6 =	vld [tilespmem:s30+$0xF0]  }
0x73: {  	v1 =	vadd.f32 v2, v1;
	v2 =	vmul.f32 v7, v3;
	v3 =	vld [tilespmem:s30+$0x2900]  }
0x74: {  	v7 =	vld [tilespmem:s30+$0x100]  }
0x75: {  	v1 =	vadd.f32 v2, v1;
	v2 =	vmul.f32 v4, v8;
	v4 =	vld [tilespmem:s30+$0x2910]  }
0x76: {  	v8 =	vld [tilespmem:s30+$0x110]  }
0x77: {  	v1 =	vadd.f32 v2, v1;
	v2 =	vmul.f32 v5, v6;
	_ =	sdelay $0x1  }
0x78: {  	v1 =	vadd.f32 v2, v1;
	v2 =	vmul.f32 v3, v7;
	_ =	sdelay $0x1  }
0x79: {  	v1 =	vadd.f32 v2, v1;
	v2 =	vmul.f32 v4, v8;
	_ =	sdelay $0x1  }
0x7a: {  	v2 =	vadd.f32 v2, v1;
	_ =	sdelay $0x1  }
0x7b: {  	[tilespmem:$0x7DA0] =	vst v2  }
0x7c: {  	v3 =	vld.idx.msk [tilespmem:v0+s25+$0x0], $0xffff  }
0x7d: {  	v1 =	vld [tilespmem:s30+$0x5110];
	_ =	sdelay $0x4  }
0x7e: {  	v2 =	vadd.f32 v3, v2;
	_ =	sdelay $0x1  }
0x7f: {  	v2 =	vmul.f32 $1.442695020e+00, v2;
	_ =	sdelay $0x1  }
0x80: {  	(erf) = vpow2.f32 v2;
	_ =	sdelay $0x1  }
0x81: {  	v3 =	vld [tilespmem:s30+$0x5100]  }
0x82: {  	v4 =	vld [tilespmem:s30+$0x50B0]  }
0x83: {  	v6 =	vld [tilespmem:s30+$0x50D0]  }
.Ltmp0:
0x84: {  	v9 =	vld [tilespmem:s30+$0x50E0];
	(pc) =	sbr.rel @p0 .LBB2_3-.Ltmp0, $4  }
0x85: {  	v8 =	vld [tilespmem:s30+$0x50C0]  }
0x86: {  	v7 =	vld [tilespmem:s30+$0x50A0]  }
0x87: {  	v5 =	vld [tilespmem:s30+$0x50F0]  }
0x88: {  	v2 =	vpop (erf)  }
0x89: {  	v9 =	vmul.f32 v9, v2  }
0x8a: {  	v6 =	vmul.f32 v6, v2  }
0x8b: {  	v3 =	vmul.f32 v3, v2;
	[tilespmem:s30+$0x50E0] =	vst v9  }
0x8c: {  	v1 =	vmul.f32 v1, v2;
	[tilespmem:s30+$0x50D0] =	vst v6  }
0x8d: {  	v8 =	vmul.f32 v8, v2;
	[tilespmem:s30+$0x5100] =	vst v3  }
0x8e: {  	v7 =	vmul.f32 v2, v7;
	[tilespmem:s30+$0x5110] =	vst v1  }
0x8f: {  	v3 =	vmul.f32 v4, v2;
	[tilespmem:s30+$0x50C0] =	vst v8  }
0x90: {  	v63 =	vmul.f32 v5, v2;
	[tilespmem:s30+$0x50A0] =	vst v7  }
0x91: {  	[tilespmem:s30+$0x50B0] =	vst v3  }
0x92: {  	[tilespmem:s30+$0x50F0] =	vst v63  }
0x93: {  	[tilespmem:s31+$0x0] =	vst v2  }
0x94: {  	[spmem:s2] =	stream.indirect.scatter.add.f32 [tilespmem:s23], [sflag:$0x1], $0x80, s4, s18, $0xb8;
	[tilespmem:$0x1E5B0] =	vst v63  }
0x95: {  	s29 =	sadd.s32 $0x1, s29  }
0x96: {  	[spmem:s3] =	stream.indirect.scatter.add.f32 [tilespmem:s26], [sflag:$0x1], $0x10, s4, s18, $0xb8;
	[tilespmem:$0x1E5B0] =	vst v63  }
0x97: {  	p0 =	sne.s32 s29, $0x7D;
	_ =	swait.ge [sflag:s19], $0x2800  }
.Ltmp1:
0x98: {  	[sflag:s19] =	ssyncset.done $0x0;
	(pc) =	sbr.rel @p0 .LBB2_2-.Ltmp1, $4  }
0x99: {  	[sflag:s19] =	ssyncadd.s32 $0xFFFFD800  }
0x9a: {  	_ =	swait.ge [sflag:s19], $0x500  }
0x9b: {  	[sflag:s19] =	ssyncset.done $0x0  }
0x9c: {  	[sflag:s19] =	ssyncadd.s32 $0xFFFFFB00  }
0x9d: {  	[bflag:$0x0] =	sbarrier.arrive $0xFFFF  }
0x9e: {  	[hbm:s22], [sflag:s11] =	dma.local [spmem:s14], $0x2800  }
0x9f: {  	s28 =	sadd.s32 $0x1, s28;
	_ =	swait.ge [sflag:s15], $0x2800  }
0xa0: {  	p0 =	sne.s32 s28, s13;
	[sflag:s15] =	ssyncset.done $0x0  }
.Ltmp2:
0xa1: {  	[sflag:s15] =	ssyncadd.s32 $0xFFFFD800;
	(pc) =	sbr.rel @p0 .LBB2_1-.Ltmp2, $4  }
0xa2: {  	[hbm:s24], [sflag:s11] =	dma.local [spmem:s17], $0x500  }
0xa3: {  	_ =	swait.ge [sflag:s15], $0x500  }
0xa4: {  	[sflag:s15] =	ssyncset.done $0x0  }
0xa5: {  	[sflag:s15] =	ssyncadd.s32 $0xFFFFFB00  }
0xa6: {  	_ =	sfence.sel $0x180000  }
0xa7: {  	[bflag:$0x0] =	sbarrier.arrive $0xFFFF  }
0xa8: {  	_ =	strace $0x90000047  }
0xa9: {  	s0 =	stileid.u32;
	[bflag:$0x2] =	sbarrier.arrive $0xFFFF  }
0xaa: {  	p0 =	sne.s32 s0, $0x0;
	s0 =	rddreg [dreg:$0x4]  }
0xab: {  	s0 =	sadd.s32 @!p0 $0x100000, s0  }
0xac: {  	[sflag:s0] =	ssyncadd.tile.s32 @!p0 $0x1;
	_ =	shalt  }
.Lfunc_end2:
_tile_overlayer_lowered:
.L_overlay_start_2:
0xad: {  	(tag) =	ssettag $0x2  }
0xae: {  	s0 =	rddreg [dreg:$0x0];
	s2 =	stileid.u32  }
0xaf: {  	s1 =	rddreg [dreg:$0x1];
	p0 =	sne.s32 s2, $0x0  }
0xb0: {  	s3 =	rddreg [dreg:$0x2];
	[bflag:$0x3] =	sbarrier.arrive $0xFFFF;
	s2 =	simm.s32 @!p0 $0x1C02  }
0xb1: {  	[timem:s3], [sflag:s2] =	dma.local @!p0 [hbm:s0], s1  }
0xb2: {  	s0 =	simm.s32 @!p0 $0x2  }
0xb3: {  	_ =	swait.ge @!p0 [sflag:s0], s1  }
0xb4: {  	s1 =	ssub.s32 @!p0 $0x0, s1;
	[sflag:s0] =	ssyncset.done @!p0 $0x0  }
0xb5: {  	[sflag:s0] =	ssyncadd.s32 @!p0 s1  }
0xb6: {  	[bflag:$0x3] =	sbarrier.arrive $0xFFFF  }
0xb7: {  	_ =	shalt  }

</sc_bundles>
